<compile_context>
chip_gen: v7x
topology: tpu7x:2x2x1
jax: 0.10.2.dev20260603
libtpu: 0.0.44.dev20260713+nightly
codegen_flags: <defaults>
</compile_context>

<pallas_src>
import functools

import jax
import jax.numpy as jnp
from jax.experimental import pallas as pl
from jax.experimental.pallas import tpu as pltpu
from jax.experimental.pallas import tpu_sc as plsc

B = 8
K = 64
EMB = 256
F = 23
LB_COL = 21
UB_COL = 22
INF_THRESHOLD = 1e18
THRESH = 10
NCLS = THRESH + 1

BLOCK_N = 2000

SC_NC = 2
SC_NS = 16
SC_NW = SC_NC * SC_NS
SC_LANES = 16
BPW = 320


def _mask_body(vt_hbm, lb_hbm, ub_hbm, mb_hbm, ms_hbm, ml_hbm, rg_hbm,
               vt_v, lb_v, ub_v, mb_v, ms_v, ml_v, rg_v, sem):
    n = vt_hbm.shape[0]
    wid = jax.lax.axis_index("s") * SC_NC + jax.lax.axis_index("c")
    base = wid * BPW
    tail = n - (SC_NW - 1) * BPW

    one = jnp.full((SC_LANES,), 1.0, jnp.float32)
    zero = jnp.zeros((SC_LANES,), jnp.float32)

    def body(j, carry):
        sl = pl.ds(j * SC_LANES, SC_LANES)
        vt = vt_v[sl].astype(jnp.float32)
        lb = lb_v[sl]
        ub = ub_v[sl]
        int_f = jnp.where(vt == 2.0, one, zero)
        fin_lb = jnp.where(jnp.abs(lb) < INF_THRESHOLD, one, zero)
        fin_ub = jnp.where(jnp.abs(ub) < INF_THRESHOLD, one, zero)
        rng_f = jnp.where(ub - lb <= THRESH, one, zero)
        small = int_f * fin_lb * fin_ub * rng_f
        mb_v[sl] = jnp.where(vt == 1.0, one, zero)
        ms_v[sl] = small
        ml_v[sl] = int_f * (one - small)
        tu = ub.astype(jnp.int32).astype(jnp.float32)
        cu = tu + jnp.where(tu < ub, one, zero)
        tl = lb.astype(jnp.int32).astype(jnp.float32)
        fl = tl - jnp.where(tl > lb, one, zero)
        rg_v[sl] = jnp.clip(cu - fl + 1.0, 1.0, float(NCLS)).astype(jnp.int32)
        return carry

    def run(nrows):
        def inner():
            sl = pl.ds(0, nrows)
            hsl = pl.ds(base, nrows)
            h1 = pltpu.async_copy(vt_hbm.at[hsl], vt_v.at[sl], sem)
            h2 = pltpu.async_copy(lb_hbm.at[hsl], lb_v.at[sl], sem)
            h3 = pltpu.async_copy(ub_hbm.at[hsl], ub_v.at[sl], sem)
            h1.wait()
            h2.wait()
            h3.wait()
            jax.lax.fori_loop(0, nrows // SC_LANES, body, 0)
            o1 = pltpu.async_copy(mb_v.at[sl], mb_hbm.at[hsl], sem)
            o2 = pltpu.async_copy(ms_v.at[sl], ms_hbm.at[hsl], sem)
            o3 = pltpu.async_copy(ml_v.at[sl], ml_hbm.at[hsl], sem)
            o4 = pltpu.async_copy(rg_v.at[sl], rg_hbm.at[hsl], sem)
            o1.wait()
            o2.wait()
            o3.wait()
            o4.wait()
        return inner

    pl.when(wid < SC_NW - 1)(run(BPW))
    pl.when(wid == SC_NW - 1)(run(tail))


@functools.cache
def _routing_masks_fn(n):
    return pl.kernel(
        _mask_body,
        out_type=[jax.ShapeDtypeStruct((n,), jnp.float32),
                  jax.ShapeDtypeStruct((n,), jnp.float32),
                  jax.ShapeDtypeStruct((n,), jnp.float32),
                  jax.ShapeDtypeStruct((n,), jnp.int32)],
        mesh=plsc.VectorSubcoreMesh(core_axis_name="c", subcore_axis_name="s",
                                    num_cores=SC_NC, num_subcores=SC_NS),
        scratch_types=[pltpu.VMEM((BPW,), jnp.int32),
                       pltpu.VMEM((BPW,), jnp.float32),
                       pltpu.VMEM((BPW,), jnp.float32),
                       pltpu.VMEM((BPW,), jnp.float32),
                       pltpu.VMEM((BPW,), jnp.float32),
                       pltpu.VMEM((BPW,), jnp.float32),
                       pltpu.VMEM((BPW,), jnp.int32),
                       pltpu.SemaphoreType.DMA],
    )


def _norm(x):
    xb = x.astype(jnp.bfloat16)
    ones = jnp.full((EMB, 1), 1.0 / EMB, jnp.bfloat16)
    m = jnp.dot(xb, ones, preferred_element_type=jnp.float32)
    q = jnp.dot(xb * xb, ones, preferred_element_type=jnp.float32)
    v = q - m * m
    return (x - m) * jax.lax.rsqrt(v + 1e-5)


def _gelu(x):
    c1 = jnp.bfloat16(1.5957692)
    c2 = jnp.bfloat16(1.5957692 * 0.044715)
    return x * jax.nn.sigmoid(x * (c1 + c2 * x * x))


def _bdot(a, b):
    return jnp.dot(a, b, preferred_element_type=jnp.float32)


def _fused_kernel(
    tokens_ref, attn_ref, vb_ref, colb_ref, z0_ref,
    mbin_ref, msmall_ref, mlarge_ref, rg_ref,
    dw_ref, db_ref, fg_ref, fb_ref,
    bin_ng, bin_nb, bin_w1, bin_b1, bin_w2, bin_b2, bin_wh, bin_bh,
    int_ng, int_nb, int_w1, int_b1, int_w2, int_b2, int_wh, int_bh,
    lrg_ng, lrg_nb, lrg_w1, lrg_b1, lrg_w2, lrg_b2, lrg_wh, lrg_bh,
    zout_ref, pbin_ref, lsmall_ref, plarge_ref,
    tw_ref, w1c_ref, b1c_ref, w2c_ref, b2c_ref, whc_ref,
):
    @pl.when(pl.program_id(0) == 0)
    def _prep():
        tw_ref[...] = jnp.dot(tokens_ref[...], dw_ref[...],
                              preferred_element_type=jnp.float32).astype(jnp.bfloat16)
        for i, (ng, nb, w1, b1, w2, b2, wh) in enumerate((
                (bin_ng, bin_nb, bin_w1, bin_b1, bin_w2, bin_b2, bin_wh),
                (int_ng, int_nb, int_w1, int_b1, int_w2, int_b2, int_wh),
                (lrg_ng, lrg_nb, lrg_w1, lrg_b1, lrg_w2, lrg_b2, lrg_wh))):
            w1c_ref[:, i * EMB:(i + 1) * EMB] = (
                ng[...][:, None] * w1[...]).astype(jnp.bfloat16)
            b1c_ref[0, i * EMB:(i + 1) * EMB] = (
                jnp.dot(nb[...][None, :], w1[...],
                        preferred_element_type=jnp.float32)[0]
                + b1[...]).astype(jnp.bfloat16)
            w2c_ref[:, i * EMB:(i + 1) * EMB] = w2[...].astype(jnp.bfloat16)
            b2c_ref[0, i * EMB:(i + 1) * EMB] = b2[...].astype(jnp.bfloat16)
            whc_ref[:, i * 128:i * 128 + wh.shape[1]] = wh[...].astype(jnp.bfloat16)

    attn = attn_ref[...].astype(jnp.bfloat16)
    vb = vb_ref[...]
    attn_tiled = jnp.concatenate([attn] * B, axis=1)
    P = jnp.where(colb_ref[...] == vb, attn_tiled, jnp.bfloat16(0.0))
    z = _bdot(P, tw_ref[...]) + db_ref[...]
    z_out = _norm(z + z0_ref[...]) * fg_ref[...] + fb_ref[...]
    zout_ref[...] = z_out

    nz = _norm(z_out)
    z_out_b = z_out.astype(jnp.bfloat16)
    h1 = _bdot(nz.astype(jnp.bfloat16), w1c_ref[...]).astype(jnp.bfloat16) + b1c_ref[...]
    g1 = _gelu(h1)

    def tail(i, out_dim, bh):
        h2 = (_bdot(g1[:, i * EMB:(i + 1) * EMB],
                    w2c_ref[:, i * EMB:(i + 1) * EMB]).astype(jnp.bfloat16)
              + b2c_ref[0, i * EMB:(i + 1) * EMB])
        hr = z_out_b + _gelu(h2)
        return _bdot(hr, whc_ref[:, i * 128:i * 128 + out_dim]) + bh[...]

    out_bin = tail(0, 1, bin_bh)
    pbin_ref[...] = jax.nn.sigmoid(out_bin) * mbin_ref[...]

    logits = tail(1, NCLS, int_bh)
    valid = jax.lax.broadcasted_iota(jnp.int32, (BLOCK_N, NCLS), 1) < rg_ref[...]
    lsmall_ref[...] = msmall_ref[...] * jnp.where(valid, logits, -1e9)

    out_lrg = tail(2, 1, lrg_bh)
    plarge_ref[...] = out_lrg * mlarge_ref[...]


def _row(i):
    return (i, 0)


def _full(i):
    return (0, 0)


def _full1(i):
    return (0,)


@jax.jit
def kernel(evolved_tokens, token_batch, attn_weights, var_types, z_var_0,
           var_batch, variable_features, params):
    n = attn_weights.shape[0]
    grid = (n // BLOCK_N,)
    vb2 = var_batch.astype(jnp.int32)[:, None]

    mbin, msmall, mlarge, ranges = _routing_masks_fn(n)(
        var_types.astype(jnp.int32),
        variable_features[:, LB_COL], variable_features[:, UB_COL])
    mbin = mbin[:, None]
    msmall = msmall[:, None]
    mlarge = mlarge[:, None]
    ranges = ranges[:, None]

    colb = (jnp.arange(B * K, dtype=jnp.int32) // K)[None, :]

    def head_specs(out_dim):
        return [
            pl.BlockSpec((EMB,), _full1),
            pl.BlockSpec((EMB,), _full1),
            pl.BlockSpec((EMB, EMB), _full),
            pl.BlockSpec((EMB,), _full1),
            pl.BlockSpec((EMB, EMB), _full),
            pl.BlockSpec((EMB,), _full1),
            pl.BlockSpec((EMB, out_dim), _full),
            pl.BlockSpec((out_dim,), _full1),
        ]

    def head_args(p):
        return [p['ng'], p['nb'], p['w1'], p['b1'],
                p['w2'], p['b2'], p['wh'], p['bh']]

    in_specs = [
        pl.BlockSpec((B * K, EMB), _full),
        pl.BlockSpec((BLOCK_N, K), _row),
        pl.BlockSpec((BLOCK_N, 1), _row),
        pl.BlockSpec((1, B * K), _full),
        pl.BlockSpec((BLOCK_N, EMB), _row),
        pl.BlockSpec((BLOCK_N, 1), _row),
        pl.BlockSpec((BLOCK_N, 1), _row),
        pl.BlockSpec((BLOCK_N, 1), _row),
        pl.BlockSpec((BLOCK_N, 1), _row),
        pl.BlockSpec((EMB, EMB), _full),
        pl.BlockSpec((EMB,), _full1),
        pl.BlockSpec((EMB,), _full1),
        pl.BlockSpec((EMB,), _full1),
    ] + head_specs(1) + head_specs(NCLS) + head_specs(1)

    out_specs = [
        pl.BlockSpec((BLOCK_N, EMB), _row),
        pl.BlockSpec((BLOCK_N, 1), _row),
        pl.BlockSpec((BLOCK_N, NCLS), _row),
        pl.BlockSpec((BLOCK_N, 1), _row),
    ]
    out_shape = [
        jax.ShapeDtypeStruct((n, EMB), jnp.float32),
        jax.ShapeDtypeStruct((n, 1), jnp.float32),
        jax.ShapeDtypeStruct((n, NCLS), jnp.float32),
        jax.ShapeDtypeStruct((n, 1), jnp.float32),
    ]

    args = [evolved_tokens, attn_weights, vb2, colb, z_var_0,
            mbin, msmall, mlarge, ranges,
            params['deslice_w'], params['deslice_b'], params['fus_g'], params['fus_b']]
    args += head_args(params['bin']) + head_args(params['ints']) + head_args(params['intl'])

    z_out, prob_bin, logits_int_small, pred_int_large = pl.pallas_call(
        _fused_kernel,
        grid=grid,
        in_specs=in_specs,
        out_specs=out_specs,
        out_shape=out_shape,
        scratch_shapes=[
            pltpu.VMEM((B * K, EMB), jnp.bfloat16),
            pltpu.VMEM((EMB, 3 * EMB), jnp.bfloat16),
            pltpu.VMEM((1, 3 * EMB), jnp.bfloat16),
            pltpu.VMEM((EMB, 3 * EMB), jnp.bfloat16),
            pltpu.VMEM((1, 3 * EMB), jnp.bfloat16),
            pltpu.VMEM((EMB, 3 * 128), jnp.bfloat16),
        ],
    )(*args)
    return (z_out, prob_bin, logits_int_small, pred_int_large)

# --- scband reference (transcript-rebuilt; emitter-appended) ---
"""Pipeline reference for scband-deslicing-decoder-23570780520661 (READ-ONLY COPY).

The authoritative reference and input builder live on the scoring server;
editing this copy changes nothing except your own understanding.
"""

import jax, jax.numpy as jnp
import numpy as np

B = 8
K = 64
N = 10000
EMB = 256
F = 23
LB_COL = 21
UB_COL = 22
INF_THRESHOLD = 1e18
THRESH = 10
NCLS = THRESH + 1


def _ln(x, g, b):
    m = x.mean(-1, keepdims=True)
    v = x.var(-1, keepdims=True)
    return (x - m) / jnp.sqrt(v + 1e-5) * g + b


def _head(p, x):
    h = _ln(x, p['ng'], p['nb'])
    h = jax.nn.gelu(h @ p['w1'] + p['b1'])
    h = jax.nn.gelu(h @ p['w2'] + p['b2'])
    h = x + h
    return h @ p['wh'] + p['bh']


def _xav(k, fi, fo):
    return jax.random.uniform(k, (fi, fo), minval=-1.0, maxval=1.0) * np.sqrt(6.0 / (fi + fo))


def _make_head(key, emb, out_dim, head_bias=0.0):
    k1, k2, k3 = jax.random.split(key, 3)
    return {'ng': jnp.ones(emb), 'nb': jnp.zeros(emb),
            'w1': _xav(k1, emb, emb), 'b1': jnp.zeros(emb),
            'w2': _xav(k2, emb, emb), 'b2': jnp.zeros(emb),
            'wh': _xav(k3, emb, out_dim), 'bh': jnp.full((out_dim,), head_bias)}


def setup_inputs(seed: int = 0):
    key = jax.random.key(seed)
    ks = jax.random.split(key, 12)
    evolved_tokens = jax.random.normal(ks[0], (B * K, EMB), dtype=jnp.float32)
    token_batch = jnp.repeat(jnp.arange(B, dtype=jnp.int32), K)
    aw = jax.random.uniform(ks[1], (N, K), dtype=jnp.float32)
    attn_weights = aw / aw.sum(-1, keepdims=True)
    var_types = jax.random.randint(ks[2], (N,), 0, 3)
    z_var_0 = jax.random.normal(ks[3], (N, EMB), dtype=jnp.float32)
    var_batch = jnp.sort(jax.random.randint(ks[4], (N,), 0, B))
    variable_features = jax.random.normal(ks[5], (N, F), dtype=jnp.float32) * 20.0
    params = {
        'deslice_w': _xav(ks[6], EMB, EMB), 'deslice_b': jnp.zeros(EMB),
        'fus_g': jnp.ones(EMB), 'fus_b': jnp.zeros(EMB),
        'bin': _make_head(ks[7], EMB, 1, head_bias=-0.5),
        'ints': _make_head(ks[8], EMB, NCLS),
        'intl': _make_head(ks[9], EMB, 1),
    }
    return {'evolved_tokens': evolved_tokens, 'token_batch': token_batch,
            'attn_weights': attn_weights, 'var_types': var_types,
            'z_var_0': z_var_0, 'var_batch': var_batch,
            'variable_features': variable_features, 'params': params}


def reference(evolved_tokens, token_batch, attn_weights, var_types, z_var_0, var_batch, variable_features, params):
    n = attn_weights.shape[0]
    kk = attn_weights.shape[1]
    bb = evolved_tokens.shape[0] // kk
    # Deslice: each variable attends over the K tokens of its own graph.
    # Build a sparse routing matrix [N, B*K] via scatter, then one matmul.
    cols = var_batch[:, None] * kk + jnp.arange(kk)[None, :]
    A = jnp.zeros((n, bb * kk), dtype=evolved_tokens.dtype)
    A = A.at[jnp.arange(n)[:, None], cols].set(attn_weights)
    z_desliced = A @ evolved_tokens
    z_desliced = z_desliced @ params['deslice_w'] + params['deslice_b']
    z_out = _ln(z_desliced + z_var_0, params['fus_g'], params['fus_b'])
    # Routing masks (extract_int_routing, static-shape variant)
    lb = variable_features[:, LB_COL]
    ub = variable_features[:, UB_COL]
    is_int = var_types == 2
    finite = (jnp.abs(lb) < INF_THRESHOLD) & (jnp.abs(ub) < INF_THRESHOLD)
    var_range = ub - lb
    mask_small = is_int & finite & (var_range <= THRESH)
    mask_large = is_int & (~mask_small)
    mask_bin = var_types == 1
    ranges = jnp.clip((jnp.ceil(ub) - jnp.floor(lb) + 1).astype(jnp.int32), 1, NCLS)
    # Heads (eval mode: dropout = identity), type masks applied multiplicatively
    prob_bin = jax.nn.sigmoid(_head(params['bin'], z_out)) * mask_bin[:, None]
    logits = _head(params['ints'], z_out)
    valid = jnp.arange(NCLS)[None, :] < ranges[:, None]
    logits = jnp.where(valid, logits, -1e9)
    logits_int_small = jnp.where(mask_small[:, None], logits, 0.0)
    pred_int_large = _head(params['intl'], z_out) * mask_large[:, None]
    return (z_out, prob_bin, logits_int_small, pred_int_large)

if __name__ == "__main__":
    import jax
    _d = setup_inputs()
    print(jax.jit(kernel)(*tuple(_d.values())))

</pallas_src>

<mosaic_0001>
#map = affine_map<(d0, d1) -> (0)>
module attributes {stable_mosaic.version = 14 : i64} {
  func.func @_mask_body(%arg0: i32, %arg1: i32, %arg2: memref<10000xi32, #tpu.memory_space<hbm>>, %arg3: memref<10000xf32, #tpu.memory_space<hbm>>, %arg4: memref<10000xf32, #tpu.memory_space<hbm>>, %arg5: memref<10000xf32, #tpu.memory_space<hbm>>, %arg6: memref<10000xf32, #tpu.memory_space<hbm>>, %arg7: memref<10000xf32, #tpu.memory_space<hbm>>, %arg8: memref<10000xi32, #tpu.memory_space<hbm>>, %arg9: memref<320xi32, #tpu.memory_space<vmem>>, %arg10: memref<320xf32, #tpu.memory_space<vmem>>, %arg11: memref<320xf32, #tpu.memory_space<vmem>>, %arg12: memref<320xf32, #tpu.memory_space<vmem>>, %arg13: memref<320xf32, #tpu.memory_space<vmem>>, %arg14: memref<320xf32, #tpu.memory_space<vmem>>, %arg15: memref<320xi32, #tpu.memory_space<vmem>>, %arg16: memref<!tpu.dma_semaphore, #tpu.memory_space<semaphore_mem>>) attributes {dimension_semantics = [#tpu.dimension_semantics<core_parallel>, #tpu.dimension_semantics<subcore_parallel>], iteration_bounds = array<i64: 2, 16>, scalar_prefetch = 0 : i64, scratch_operands = 8 : i64, tpu.core_type = #tpu.core_type<sc_vector_subcore>, window_params = [{transform_indices = #map}, {transform_indices = #map}, {transform_indices = #map}, {transform_indices = #map}, {transform_indices = #map}, {transform_indices = #map}, {transform_indices = #map}]} {
    %mul3A = arith.constant 2 : i32
    %mul3A_0 = arith.muli %arg1, %mul3A : i32
    %add3A = arith.addi %mul3A_0, %arg0 : i32
    %mul3A_1 = arith.constant 320 : i32
    %mul3A_2 = arith.muli %add3A, %mul3A_1 : i32
    %broadcast_in_dim3A = arith.constant 1.000000e+00 : f32
    %broadcast_in_dim3A_3 = vector.broadcast %broadcast_in_dim3A : f32 to vector<16xf32>
    %broadcast_in_dim3A_4 = arith.constant 0.000000e+00 : f32
    %broadcast_in_dim3A_5 = vector.broadcast %broadcast_in_dim3A_4 : f32 to vector<16xf32>
    %lt3A = arith.constant 31 : i32
    %lt3A_6 = arith.cmpi slt, %add3A, %lt3A : i32
    %convert_element_type3A = arith.extui %lt3A_6 : i1 to i32
    %cond3A = arith.constant 0 : i32
    %cond3A_7 = arith.cmpi ne, %convert_element_type3A, %cond3A : i32
    scf.if %cond3A_7 {
      %dma_start3A = arith.constant 0 : i32
      %dma_start3A_12 = tpu.memref_slice %arg9[%dma_start3A] : memref<320xi32, #tpu.memory_space<vmem>> -> memref<320xi32, #tpu.memory_space<vmem>>
      %dma_start3A_13 = tpu.memref_slice %arg2[%mul3A_2] : memref<10000xi32, #tpu.memory_space<hbm>> -> memref<320xi32, #tpu.memory_space<hbm>>
      %dma_start3A_14 = arith.constant 0 : i32
      %dma_start3A_15 = tpu.memref_slice %arg9[%dma_start3A_14] : memref<320xi32, #tpu.memory_space<vmem>> -> memref<320xi32, #tpu.memory_space<vmem>>
      %dma_start3A_16 = tpu.memref_slice %arg2[%mul3A_2] : memref<10000xi32, #tpu.memory_space<hbm>> -> memref<320xi32, #tpu.memory_space<hbm>>
      tpu.enqueue_dma source(%dma_start3A_16 : memref<320xi32, #tpu.memory_space<hbm>>) target(%dma_start3A_15 : memref<320xi32, #tpu.memory_space<vmem>>) target_semaphore(%arg16 : memref<!tpu.dma_semaphore, #tpu.memory_space<semaphore_mem>>)
      %dma_start3A_17 = arith.constant 0 : i32
      %dma_start3A_18 = tpu.memref_slice %arg10[%dma_start3A_17] : memref<320xf32, #tpu.memory_space<vmem>> -> memref<320xf32, #tpu.memory_space<vmem>>
      %dma_start3A_19 = tpu.memref_slice %arg3[%mul3A_2] : memref<10000xf32, #tpu.memory_space<hbm>> -> memref<320xf32, #tpu.memory_space<hbm>>
      %dma_start3A_20 = arith.constant 0 : i32
      %dma_start3A_21 = tpu.memref_slice %arg10[%dma_start3A_20] : memref<320xf32, #tpu.memory_space<vmem>> -> memref<320xf32, #tpu.memory_space<vmem>>
      %dma_start3A_22 = tpu.memref_slice %arg3[%mul3A_2] : memref<10000xf32, #tpu.memory_space<hbm>> -> memref<320xf32, #tpu.memory_space<hbm>>
      tpu.enqueue_dma source(%dma_start3A_22 : memref<320xf32, #tpu.memory_space<hbm>>) target(%dma_start3A_21 : memref<320xf32, #tpu.memory_space<vmem>>) target_semaphore(%arg16 : memref<!tpu.dma_semaphore, #tpu.memory_space<semaphore_mem>>)
      %dma_start3A_23 = arith.constant 0 : i32
      %dma_start3A_24 = tpu.memref_slice %arg11[%dma_start3A_23] : memref<320xf32, #tpu.memory_space<vmem>> -> memref<320xf32, #tpu.memory_space<vmem>>
      %dma_start3A_25 = tpu.memref_slice %arg4[%mul3A_2] : memref<10000xf32, #tpu.memory_space<hbm>> -> memref<320xf32, #tpu.memory_space<hbm>>
      %dma_start3A_26 = arith.constant 0 : i32
      %dma_start3A_27 = tpu.memref_slice %arg11[%dma_start3A_26] : memref<320xf32, #tpu.memory_space<vmem>> -> memref<320xf32, #tpu.memory_space<vmem>>
      %dma_start3A_28 = tpu.memref_slice %arg4[%mul3A_2] : memref<10000xf32, #tpu.memory_space<hbm>> -> memref<320xf32, #tpu.memory_space<hbm>>
      tpu.enqueue_dma source(%dma_start3A_28 : memref<320xf32, #tpu.memory_space<hbm>>) target(%dma_start3A_27 : memref<320xf32, #tpu.memory_space<vmem>>) target_semaphore(%arg16 : memref<!tpu.dma_semaphore, #tpu.memory_space<semaphore_mem>>)
      %dma_wait3A = arith.constant 0 : i32
      %dma_wait3A_29 = tpu.memref_slice %arg9[%dma_wait3A] : memref<320xi32, #tpu.memory_space<vmem>> -> memref<320xi32, #tpu.memory_space<vmem>>
      %dma_wait3A_30 = tpu.memref_slice %arg2[%mul3A_2] : memref<10000xi32, #tpu.memory_space<hbm>> -> memref<320xi32, #tpu.memory_space<hbm>>
      %dma_wait3A_31 = arith.constant 0 : i32
      %dma_wait3A_32 = tpu.memref_slice %arg9[%dma_wait3A_31] : memref<320xi32, #tpu.memory_space<vmem>> -> memref<320xi32, #tpu.memory_space<vmem>>
      %dma_wait3A_33 = tpu.memref_slice %arg2[%mul3A_2] : memref<10000xi32, #tpu.memory_space<hbm>> -> memref<320xi32, #tpu.memory_space<hbm>>
      tpu.wait_dma2 semaphore(%arg16 : memref<!tpu.dma_semaphore, #tpu.memory_space<semaphore_mem>>) src(%dma_wait3A_33 : memref<320xi32, #tpu.memory_space<hbm>>) dst(%dma_wait3A_32 : memref<320xi32, #tpu.memory_space<vmem>>)
      %dma_wait3A_34 = arith.constant 0 : i32
      %dma_wait3A_35 = tpu.memref_slice %arg10[%dma_wait3A_34] : memref<320xf32, #tpu.memory_space<vmem>> -> memref<320xf32, #tpu.memory_space<vmem>>
      %dma_wait3A_36 = tpu.memref_slice %arg3[%mul3A_2] : memref<10000xf32, #tpu.memory_space<hbm>> -> memref<320xf32, #tpu.memory_space<hbm>>
      %dma_wait3A_37 = arith.constant 0 : i32
      %dma_wait3A_38 = tpu.memref_slice %arg10[%dma_wait3A_37] : memref<320xf32, #tpu.memory_space<vmem>> -> memref<320xf32, #tpu.memory_space<vmem>>
      %dma_wait3A_39 = tpu.memref_slice %arg3[%mul3A_2] : memref<10000xf32, #tpu.memory_space<hbm>> -> memref<320xf32, #tpu.memory_space<hbm>>
      tpu.wait_dma2 semaphore(%arg16 : memref<!tpu.dma_semaphore, #tpu.memory_space<semaphore_mem>>) src(%dma_wait3A_39 : memref<320xf32, #tpu.memory_space<hbm>>) dst(%dma_wait3A_38 : memref<320xf32, #tpu.memory_space<vmem>>)
      %dma_wait3A_40 = arith.constant 0 : i32
      %dma_wait3A_41 = tpu.memref_slice %arg11[%dma_wait3A_40] : memref<320xf32, #tpu.memory_space<vmem>> -> memref<320xf32, #tpu.memory_space<vmem>>
      %dma_wait3A_42 = tpu.memref_slice %arg4[%mul3A_2] : memref<10000xf32, #tpu.memory_space<hbm>> -> memref<320xf32, #tpu.memory_space<hbm>>
      %dma_wait3A_43 = arith.constant 0 : i32
      %dma_wait3A_44 = tpu.memref_slice %arg11[%dma_wait3A_43] : memref<320xf32, #tpu.memory_space<vmem>> -> memref<320xf32, #tpu.memory_space<vmem>>
      %dma_wait3A_45 = tpu.memref_slice %arg4[%mul3A_2] : memref<10000xf32, #tpu.memory_space<hbm>> -> memref<320xf32, #tpu.memory_space<hbm>>
      tpu.wait_dma2 semaphore(%arg16 : memref<!tpu.dma_semaphore, #tpu.memory_space<semaphore_mem>>) src(%dma_wait3A_45 : memref<320xf32, #tpu.memory_space<hbm>>) dst(%dma_wait3A_44 : memref<320xf32, #tpu.memory_space<vmem>>)
      %scan3A = arith.constant 0 : i32
      %scan3A_46 = arith.constant 0 : i32
      %scan3A_47 = arith.constant 20 : i32
      %scan3A_48 = arith.addi %scan3A_46, %scan3A_47 : i32
      %scan3A_49 = arith.constant 1 : i32
      scf.for %scan3A_99 = %scan3A_46 to %scan3A_48 step %scan3A_49  : i32 {
        %mul3A_100 = arith.constant 16 : i32
        %mul3A_101 = arith.muli %scan3A_99, %mul3A_100 : i32
        %get3A = arith.index_cast %mul3A_101 : i32 to index
        %get3A_102 = tpu.vector_load %arg9[%get3A] {strides = array<i32>} : memref<320xi32, #tpu.memory_space<vmem>>, vector<16xi32>,
        %get3A_103 = vector.shape_cast %get3A_102 : vector<16xi32> to vector<16xi32>
        %convert_element_type3A_104 = arith.sitofp %get3A_103 : vector<16xi32> to vector<16xf32>
        %get3A_105 = arith.index_cast %mul3A_101 : i32 to index
        %get3A_106 = tpu.vector_load %arg10[%get3A_105] {strides = array<i32>} : memref<320xf32, #tpu.memory_space<vmem>>, vector<16xf32>,
        %get3A_107 = vector.shape_cast %get3A_106 : vector<16xf32> to vector<16xf32>
        %get3A_108 = arith.index_cast %mul3A_101 : i32 to index
        %get3A_109 = tpu.vector_load %arg11[%get3A_108] {strides = array<i32>} : memref<320xf32, #tpu.memory_space<vmem>>, vector<16xf32>,
        %get3A_110 = vector.shape_cast %get3A_109 : vector<16xf32> to vector<16xf32>
        %eq3A_111 = arith.constant 2.000000e+00 : f32
        %eq3A_112 = vector.broadcast %eq3A_111 : f32 to vector<16xf32>
        %eq3A_113 = arith.cmpf oeq, %convert_element_type3A_104, %eq3A_112 : vector<16xf32>
        %select_n3A = arith.select %eq3A_113, %broadcast_in_dim3A_3, %broadcast_in_dim3A_5 : vector<16xi1>, vector<16xf32>
        %abs3A = math.absf %get3A_107 : vector<16xf32>
        %lt3A_114 = arith.constant 9.99999984E+17 : f32
        %lt3A_115 = vector.broadcast %lt3A_114 : f32 to vector<16xf32>
        %lt3A_116 = arith.cmpf olt, %abs3A, %lt3A_115 : vector<16xf32>
        %select_n3A_117 = arith.select %lt3A_116, %broadcast_in_dim3A_3, %broadcast_in_dim3A_5 : vector<16xi1>, vector<16xf32>
        %abs3A_118 = math.absf %get3A_110 : vector<16xf32>
        %lt3A_119 = arith.constant 9.99999984E+17 : f32
        %lt3A_120 = vector.broadcast %lt3A_119 : f32 to vector<16xf32>
        %lt3A_121 = arith.cmpf olt, %abs3A_118, %lt3A_120 : vector<16xf32>
        %select_n3A_122 = arith.select %lt3A_121, %broadcast_in_dim3A_3, %broadcast_in_dim3A_5 : vector<16xi1>, vector<16xf32>
        %sub3A = arith.subf %get3A_110, %get3A_107 : vector<16xf32>
        %le3A = arith.constant 1.000000e+01 : f32
        %le3A_123 = vector.broadcast %le3A : f32 to vector<16xf32>
        %le3A_124 = arith.cmpf ole, %sub3A, %le3A_123 : vector<16xf32>
        %select_n3A_125 = arith.select %le3A_124, %broadcast_in_dim3A_3, %broadcast_in_dim3A_5 : vector<16xi1>, vector<16xf32>
        %mul3A_126 = arith.mulf %select_n3A, %select_n3A_117 : vector<16xf32>
        %mul3A_127 = arith.mulf %mul3A_126, %select_n3A_122 : vector<16xf32>
        %mul3A_128 = arith.mulf %mul3A_127, %select_n3A_125 : vector<16xf32>
        %eq3A_129 = arith.constant 1.000000e+00 : f32
        %eq3A_130 = vector.broadcast %eq3A_129 : f32 to vector<16xf32>
        %eq3A_131 = arith.cmpf oeq, %convert_element_type3A_104, %eq3A_130 : vector<16xf32>
        %select_n3A_132 = arith.select %eq3A_131, %broadcast_in_dim3A_3, %broadcast_in_dim3A_5 : vector<16xi1>, vector<16xf32>
        %swap3A = arith.index_cast %mul3A_101 : i32 to index
        %swap3A_133 = tpu.vector_load %arg12[%swap3A] {strides = array<i32>} : memref<320xf32, #tpu.memory_space<vmem>>, vector<16xf32>,
        %swap3A_134 = vector.shape_cast %swap3A_133 : vector<16xf32> to vector<16xf32>
        %swap3A_135 = vector.shape_cast %select_n3A_132 : vector<16xf32> to vector<16xf32>
        tpu.vector_store %arg12[%swap3A], %swap3A_135 {strides = array<i32>} : memref<320xf32, #tpu.memory_space<vmem>>, vector<16xf32>,
        %swap3A_136 = arith.index_cast %mul3A_101 : i32 to index
        %swap3A_137 = tpu.vector_load %arg13[%swap3A_136] {strides = array<i32>} : memref<320xf32, #tpu.memory_space<vmem>>, vector<16xf32>,
        %swap3A_138 = vector.shape_cast %swap3A_137 : vector<16xf32> to vector<16xf32>
        %swap3A_139 = vector.shape_cast %mul3A_128 : vector<16xf32> to vector<16xf32>
        tpu.vector_store %arg13[%swap3A_136], %swap3A_139 {strides = array<i32>} : memref<320xf32, #tpu.memory_space<vmem>>, vector<16xf32>,
        %sub3A_140 = arith.subf %broadcast_in_dim3A_3, %mul3A_128 : vector<16xf32>
        %mul3A_141 = arith.mulf %select_n3A, %sub3A_140 : vector<16xf32>
        %swap3A_142 = arith.index_cast %mul3A_101 : i32 to index
        %swap3A_143 = tpu.vector_load %arg14[%swap3A_142] {strides = array<i32>} : memref<320xf32, #tpu.memory_space<vmem>>, vector<16xf32>,
        %swap3A_144 = vector.shape_cast %swap3A_143 : vector<16xf32> to vector<16xf32>
        %swap3A_145 = vector.shape_cast %mul3A_141 : vector<16xf32> to vector<16xf32>
        tpu.vector_store %arg14[%swap3A_142], %swap3A_145 {strides = array<i32>} : memref<320xf32, #tpu.memory_space<vmem>>, vector<16xf32>,
        %convert_element_type3A_146 = arith.fptosi %get3A_110 : vector<16xf32> to vector<16xi32>
        %convert_element_type3A_147 = arith.sitofp %convert_element_type3A_146 : vector<16xi32> to vector<16xf32>
        %lt3A_148 = arith.cmpf olt, %convert_element_type3A_147, %get3A_110 : vector<16xf32>
        %select_n3A_149 = arith.select %lt3A_148, %broadcast_in_dim3A_3, %broadcast_in_dim3A_5 : vector<16xi1>, vector<16xf32>
        %add3A_150 = arith.addf %convert_element_type3A_147, %select_n3A_149 : vector<16xf32>
        %convert_element_type3A_151 = arith.fptosi %get3A_107 : vector<16xf32> to vector<16xi32>
        %convert_element_type3A_152 = arith.sitofp %convert_element_type3A_151 : vector<16xi32> to vector<16xf32>
        %gt3A = arith.cmpf ogt, %convert_element_type3A_152, %get3A_107 : vector<16xf32>
        %select_n3A_153 = arith.select %gt3A, %broadcast_in_dim3A_3, %broadcast_in_dim3A_5 : vector<16xi1>, vector<16xf32>
        %sub3A_154 = arith.subf %convert_element_type3A_152, %select_n3A_153 : vector<16xf32>
        %sub3A_155 = arith.subf %add3A_150, %sub3A_154 : vector<16xf32>
        %add3A_156 = arith.constant 1.000000e+00 : f32
        %add3A_157 = vector.broadcast %add3A_156 : f32 to vector<16xf32>
        %add3A_158 = arith.addf %sub3A_155, %add3A_157 : vector<16xf32>
        %jit3A = arith.constant 1.000000e+00 : f32
        %jit3A_159 = arith.constant 1.100000e+01 : f32
        %max3A = vector.broadcast %jit3A : f32 to vector<16xf32>
        %max3A_160 = arith.maximumf %max3A, %add3A_158 : vector<16xf32>
        %min3A = vector.broadcast %jit3A_159 : f32 to vector<16xf32>
        %min3A_161 = arith.minimumf %min3A, %max3A_160 : vector<16xf32>
        %convert_element_type3A_162 = arith.fptosi %min3A_161 : vector<16xf32> to vector<16xi32>
        %swap3A_163 = arith.index_cast %mul3A_101 : i32 to index
        %swap3A_164 = tpu.vector_load %arg15[%swap3A_163] {strides = array<i32>} : memref<320xi32, #tpu.memory_space<vmem>>, vector<16xi32>,
        %swap3A_165 = vector.shape_cast %swap3A_164 : vector<16xi32> to vector<16xi32>
        %swap3A_166 = vector.shape_cast %convert_element_type3A_162 : vector<16xi32> to vector<16xi32>
        tpu.vector_store %arg15[%swap3A_163], %swap3A_166 {strides = array<i32>} : memref<320xi32, #tpu.memory_space<vmem>>, vector<16xi32>,
      }
      %scan3A_50 = arith.constant 20 : i32
      %dma_start3A_51 = arith.constant 0 : i32
      %dma_start3A_52 = tpu.memref_slice %arg12[%dma_start3A_51] : memref<320xf32, #tpu.memory_space<vmem>> -> memref<320xf32, #tpu.memory_space<vmem>>
      %dma_start3A_53 = tpu.memref_slice %arg5[%mul3A_2] : memref<10000xf32, #tpu.memory_space<hbm>> -> memref<320xf32, #tpu.memory_space<hbm>>
      %dma_start3A_54 = tpu.memref_slice %arg5[%mul3A_2] : memref<10000xf32, #tpu.memory_space<hbm>> -> memref<320xf32, #tpu.memory_space<hbm>>
      %dma_start3A_55 = arith.constant 0 : i32
      %dma_start3A_56 = tpu.memref_slice %arg12[%dma_start3A_55] : memref<320xf32, #tpu.memory_space<vmem>> -> memref<320xf32, #tpu.memory_space<vmem>>
      tpu.enqueue_dma source(%dma_start3A_56 : memref<320xf32, #tpu.memory_space<vmem>>) target(%dma_start3A_54 : memref<320xf32, #tpu.memory_space<hbm>>) target_semaphore(%arg16 : memref<!tpu.dma_semaphore, #tpu.memory_space<semaphore_mem>>)
      %dma_start3A_57 = arith.constant 0 : i32
      %dma_start3A_58 = tpu.memref_slice %arg13[%dma_start3A_57] : memref<320xf32, #tpu.memory_space<vmem>> -> memref<320xf32, #tpu.memory_space<vmem>>
      %dma_start3A_59 = tpu.memref_slice %arg6[%mul3A_2] : memref<10000xf32, #tpu.memory_space<hbm>> -> memref<320xf32, #tpu.memory_space<hbm>>
      %dma_start3A_60 = tpu.memref_slice %arg6[%mul3A_2] : memref<10000xf32, #tpu.memory_space<hbm>> -> memref<320xf32, #tpu.memory_space<hbm>>
      %dma_start3A_61 = arith.constant 0 : i32
      %dma_start3A_62 = tpu.memref_slice %arg13[%dma_start3A_61] : memref<320xf32, #tpu.memory_space<vmem>> -> memref<320xf32, #tpu.memory_space<vmem>>
      tpu.enqueue_dma source(%dma_start3A_62 : memref<320xf32, #tpu.memory_space<vmem>>) target(%dma_start3A_60 : memref<320xf32, #tpu.memory_space<hbm>>) target_semaphore(%arg16 : memref<!tpu.dma_semaphore, #tpu.memory_space<semaphore_mem>>)
      %dma_start3A_63 = arith.constant 0 : i32
      %dma_start3A_64 = tpu.memref_slice %arg14[%dma_start3A_63] : memref<320xf32, #tpu.memory_space<vmem>> -> memref<320xf32, #tpu.memory_space<vmem>>
      %dma_start3A_65 = tpu.memref_slice %arg7[%mul3A_2] : memref<10000xf32, #tpu.memory_space<hbm>> -> memref<320xf32, #tpu.memory_space<hbm>>
      %dma_start3A_66 = tpu.memref_slice %arg7[%mul3A_2] : memref<10000xf32, #tpu.memory_space<hbm>> -> memref<320xf32, #tpu.memory_space<hbm>>
      %dma_start3A_67 = arith.constant 0 : i32
      %dma_start3A_68 = tpu.memref_slice %arg14[%dma_start3A_67] : memref<320xf32, #tpu.memory_space<vmem>> -> memref<320xf32, #tpu.memory_space<vmem>>
      tpu.enqueue_dma source(%dma_start3A_68 : memref<320xf32, #tpu.memory_space<vmem>>) target(%dma_start3A_66 : memref<320xf32, #tpu.memory_space<hbm>>) target_semaphore(%arg16 : memref<!tpu.dma_semaphore, #tpu.memory_space<semaphore_mem>>)
      %dma_start3A_69 = arith.constant 0 : i32
      %dma_start3A_70 = tpu.memref_slice %arg15[%dma_start3A_69] : memref<320xi32, #tpu.memory_space<vmem>> -> memref<320xi32, #tpu.memory_space<vmem>>
      %dma_start3A_71 = tpu.memref_slice %arg8[%mul3A_2] : memref<10000xi32, #tpu.memory_space<hbm>> -> memref<320xi32, #tpu.memory_space<hbm>>
      %dma_start3A_72 = tpu.memref_slice %arg8[%mul3A_2] : memref<10000xi32, #tpu.memory_space<hbm>> -> memref<320xi32, #tpu.memory_space<hbm>>
      %dma_start3A_73 = arith.constant 0 : i32
      %dma_start3A_74 = tpu.memref_slice %arg15[%dma_start3A_73] : memref<320xi32, #tpu.memory_space<vmem>> -> memref<320xi32, #tpu.memory_space<vmem>>
      tpu.enqueue_dma source(%dma_start3A_74 : memref<320xi32, #tpu.memory_space<vmem>>) target(%dma_start3A_72 : memref<320xi32, #tpu.memory_space<hbm>>) target_semaphore(%arg16 : memref<!tpu.dma_semaphore, #tpu.memory_space<semaphore_mem>>)
      %dma_wait3A_75 = arith.constant 0 : i32
      %dma_wait3A_76 = tpu.memref_slice %arg12[%dma_wait3A_75] : memref<320xf32, #tpu.memory_space<vmem>> -> memref<320xf32, #tpu.memory_space<vmem>>
      %dma_wait3A_77 = tpu.memref_slice %arg5[%mul3A_2] : memref<10000xf32, #tpu.memory_space<hbm>> -> memref<320xf32, #tpu.memory_space<hbm>>
      %dma_wait3A_78 = tpu.memref_slice %arg5[%mul3A_2] : memref<10000xf32, #tpu.memory_space<hbm>> -> memref<320xf32, #tpu.memory_space<hbm>>
      %dma_wait3A_79 = arith.constant 0 : i32
      %dma_wait3A_80 = tpu.memref_slice %arg12[%dma_wait3A_79] : memref<320xf32, #tpu.memory_space<vmem>> -> memref<320xf32, #tpu.memory_space<vmem>>
      tpu.wait_dma2 semaphore(%arg16 : memref<!tpu.dma_semaphore, #tpu.memory_space<semaphore_mem>>) src(%dma_wait3A_80 : memref<320xf32, #tpu.memory_space<vmem>>) dst(%dma_wait3A_78 : memref<320xf32, #tpu.memory_space<hbm>>)
      %dma_wait3A_81 = arith.constant 0 : i32
      %dma_wait3A_82 = tpu.memref_slice %arg13[%dma_wait3A_81] : memref<320xf32, #tpu.memory_space<vmem>> -> memref<320xf32, #tpu.memory_space<vmem>>
      %dma_wait3A_83 = tpu.memref_slice %arg6[%mul3A_2] : memref<10000xf32, #tpu.memory_space<hbm>> -> memref<320xf32, #tpu.memory_space<hbm>>
      %dma_wait3A_84 = tpu.memref_slice %arg6[%mul3A_2] : memref<10000xf32, #tpu.memory_space<hbm>> -> memref<320xf32, #tpu.memory_space<hbm>>
      %dma_wait3A_85 = arith.constant 0 : i32
      %dma_wait3A_86 = tpu.memref_slice %arg13[%dma_wait3A_85] : memref<320xf32, #tpu.memory_space<vmem>> -> memref<320xf32, #tpu.memory_space<vmem>>
      tpu.wait_dma2 semaphore(%arg16 : memref<!tpu.dma_semaphore, #tpu.memory_space<semaphore_mem>>) src(%dma_wait3A_86 : memref<320xf32, #tpu.memory_space<vmem>>) dst(%dma_wait3A_84 : memref<320xf32, #tpu.memory_space<hbm>>)
      %dma_wait3A_87 = arith.constant 0 : i32
      %dma_wait3A_88 = tpu.memref_slice %arg14[%dma_wait3A_87] : memref<320xf32, #tpu.memory_space<vmem>> -> memref<320xf32, #tpu.memory_space<vmem>>
      %dma_wait3A_89 = tpu.memref_slice %arg7[%mul3A_2] : memref<10000xf32, #tpu.memory_space<hbm>> -> memref<320xf32, #tpu.memory_space<hbm>>
      %dma_wait3A_90 = tpu.memref_slice %arg7[%mul3A_2] : memref<10000xf32, #tpu.memory_space<hbm>> -> memref<320xf32, #tpu.memory_space<hbm>>
      %dma_wait3A_91 = arith.constant 0 : i32
      %dma_wait3A_92 = tpu.memref_slice %arg14[%dma_wait3A_91] : memref<320xf32, #tpu.memory_space<vmem>> -> memref<320xf32, #tpu.memory_space<vmem>>
      tpu.wait_dma2 semaphore(%arg16 : memref<!tpu.dma_semaphore, #tpu.memory_space<semaphore_mem>>) src(%dma_wait3A_92 : memref<320xf32, #tpu.memory_space<vmem>>) dst(%dma_wait3A_90 : memref<320xf32, #tpu.memory_space<hbm>>)
      %dma_wait3A_93 = arith.constant 0 : i32
      %dma_wait3A_94 = tpu.memref_slice %arg15[%dma_wait3A_93] : memref<320xi32, #tpu.memory_space<vmem>> -> memref<320xi32, #tpu.memory_space<vmem>>
      %dma_wait3A_95 = tpu.memref_slice %arg8[%mul3A_2] : memref<10000xi32, #tpu.memory_space<hbm>> -> memref<320xi32, #tpu.memory_space<hbm>>
      %dma_wait3A_96 = tpu.memref_slice %arg8[%mul3A_2] : memref<10000xi32, #tpu.memory_space<hbm>> -> memref<320xi32, #tpu.memory_space<hbm>>
      %dma_wait3A_97 = arith.constant 0 : i32
      %dma_wait3A_98 = tpu.memref_slice %arg15[%dma_wait3A_97] : memref<320xi32, #tpu.memory_space<vmem>> -> memref<320xi32, #tpu.memory_space<vmem>>
      tpu.wait_dma2 semaphore(%arg16 : memref<!tpu.dma_semaphore, #tpu.memory_space<semaphore_mem>>) src(%dma_wait3A_98 : memref<320xi32, #tpu.memory_space<vmem>>) dst(%dma_wait3A_96 : memref<320xi32, #tpu.memory_space<hbm>>)
    } else {
    }
    %eq3A = arith.constant 31 : i32
    %eq3A_8 = arith.cmpi eq, %add3A, %eq3A : i32
    %convert_element_type3A_9 = arith.extui %eq3A_8 : i1 to i32
    %cond3A_10 = arith.constant 0 : i32
    %cond3A_11 = arith.cmpi ne, %convert_element_type3A_9, %cond3A_10 : i32
    scf.if %cond3A_11 {
      %dma_start3A = arith.constant 0 : i32
      %dma_start3A_12 = tpu.memref_slice %arg9[%dma_start3A] : memref<320xi32, #tpu.memory_space<vmem>> -> memref<80xi32, #tpu.memory_space<vmem>>
      %dma_start3A_13 = tpu.memref_slice %arg2[%mul3A_2] : memref<10000xi32, #tpu.memory_space<hbm>> -> memref<80xi32, #tpu.memory_space<hbm>>
      %dma_start3A_14 = arith.constant 0 : i32
      %dma_start3A_15 = tpu.memref_slice %arg9[%dma_start3A_14] : memref<320xi32, #tpu.memory_space<vmem>> -> memref<80xi32, #tpu.memory_space<vmem>>
      %dma_start3A_16 = tpu.memref_slice %arg2[%mul3A_2] : memref<10000xi32, #tpu.memory_space<hbm>> -> memref<80xi32, #tpu.memory_space<hbm>>
      tpu.enqueue_dma source(%dma_start3A_16 : memref<80xi32, #tpu.memory_space<hbm>>) target(%dma_start3A_15 : memref<80xi32, #tpu.memory_space<vmem>>) target_semaphore(%arg16 : memref<!tpu.dma_semaphore, #tpu.memory_space<semaphore_mem>>)
      %dma_start3A_17 = arith.constant 0 : i32
      %dma_start3A_18 = tpu.memref_slice %arg10[%dma_start3A_17] : memref<320xf32, #tpu.memory_space<vmem>> -> memref<80xf32, #tpu.memory_space<vmem>>
      %dma_start3A_19 = tpu.memref_slice %arg3[%mul3A_2] : memref<10000xf32, #tpu.memory_space<hbm>> -> memref<80xf32, #tpu.memory_space<hbm>>
      %dma_start3A_20 = arith.constant 0 : i32
      %dma_start3A_21 = tpu.memref_slice %arg10[%dma_start3A_20] : memref<320xf32, #tpu.memory_space<vmem>> -> memref<80xf32, #tpu.memory_space<vmem>>
      %dma_start3A_22 = tpu.memref_slice %arg3[%mul3A_2] : memref<10000xf32, #tpu.memory_space<hbm>> -> memref<80xf32, #tpu.memory_space<hbm>>
      tpu.enqueue_dma source(%dma_start3A_22 : memref<80xf32, #tpu.memory_space<hbm>>) target(%dma_start3A_21 : memref<80xf32, #tpu.memory_space<vmem>>) target_semaphore(%arg16 : memref<!tpu.dma_semaphore, #tpu.memory_space<semaphore_mem>>)
      %dma_start3A_23 = arith.constant 0 : i32
      %dma_start3A_24 = tpu.memref_slice %arg11[%dma_start3A_23] : memref<320xf32, #tpu.memory_space<vmem>> -> memref<80xf32, #tpu.memory_space<vmem>>
      %dma_start3A_25 = tpu.memref_slice %arg4[%mul3A_2] : memref<10000xf32, #tpu.memory_space<hbm>> -> memref<80xf32, #tpu.memory_space<hbm>>
      %dma_start3A_26 = arith.constant 0 : i32
      %dma_start3A_27 = tpu.memref_slice %arg11[%dma_start3A_26] : memref<320xf32, #tpu.memory_space<vmem>> -> memref<80xf32, #tpu.memory_space<vmem>>
      %dma_start3A_28 = tpu.memref_slice %arg4[%mul3A_2] : memref<10000xf32, #tpu.memory_space<hbm>> -> memref<80xf32, #tpu.memory_space<hbm>>
      tpu.enqueue_dma source(%dma_start3A_28 : memref<80xf32, #tpu.memory_space<hbm>>) target(%dma_start3A_27 : memref<80xf32, #tpu.memory_space<vmem>>) target_semaphore(%arg16 : memref<!tpu.dma_semaphore, #tpu.memory_space<semaphore_mem>>)
      %dma_wait3A = arith.constant 0 : i32
      %dma_wait3A_29 = tpu.memref_slice %arg9[%dma_wait3A] : memref<320xi32, #tpu.memory_space<vmem>> -> memref<80xi32, #tpu.memory_space<vmem>>
      %dma_wait3A_30 = tpu.memref_slice %arg2[%mul3A_2] : memref<10000xi32, #tpu.memory_space<hbm>> -> memref<80xi32, #tpu.memory_space<hbm>>
      %dma_wait3A_31 = arith.constant 0 : i32
      %dma_wait3A_32 = tpu.memref_slice %arg9[%dma_wait3A_31] : memref<320xi32, #tpu.memory_space<vmem>> -> memref<80xi32, #tpu.memory_space<vmem>>
      %dma_wait3A_33 = tpu.memref_slice %arg2[%mul3A_2] : memref<10000xi32, #tpu.memory_space<hbm>> -> memref<80xi32, #tpu.memory_space<hbm>>
      tpu.wait_dma2 semaphore(%arg16 : memref<!tpu.dma_semaphore, #tpu.memory_space<semaphore_mem>>) src(%dma_wait3A_33 : memref<80xi32, #tpu.memory_space<hbm>>) dst(%dma_wait3A_32 : memref<80xi32, #tpu.memory_space<vmem>>)
      %dma_wait3A_34 = arith.constant 0 : i32
      %dma_wait3A_35 = tpu.memref_slice %arg10[%dma_wait3A_34] : memref<320xf32, #tpu.memory_space<vmem>> -> memref<80xf32, #tpu.memory_space<vmem>>
      %dma_wait3A_36 = tpu.memref_slice %arg3[%mul3A_2] : memref<10000xf32, #tpu.memory_space<hbm>> -> memref<80xf32, #tpu.memory_space<hbm>>
      %dma_wait3A_37 = arith.constant 0 : i32
      %dma_wait3A_38 = tpu.memref_slice %arg10[%dma_wait3A_37] : memref<320xf32, #tpu.memory_space<vmem>> -> memref<80xf32, #tpu.memory_space<vmem>>
      %dma_wait3A_39 = tpu.memref_slice %arg3[%mul3A_2] : memref<10000xf32, #tpu.memory_space<hbm>> -> memref<80xf32, #tpu.memory_space<hbm>>
      tpu.wait_dma2 semaphore(%arg16 : memref<!tpu.dma_semaphore, #tpu.memory_space<semaphore_mem>>) src(%dma_wait3A_39 : memref<80xf32, #tpu.memory_space<hbm>>) dst(%dma_wait3A_38 : memref<80xf32, #tpu.memory_space<vmem>>)
      %dma_wait3A_40 = arith.constant 0 : i32
      %dma_wait3A_41 = tpu.memref_slice %arg11[%dma_wait3A_40] : memref<320xf32, #tpu.memory_space<vmem>> -> memref<80xf32, #tpu.memory_space<vmem>>
      %dma_wait3A_42 = tpu.memref_slice %arg4[%mul3A_2] : memref<10000xf32, #tpu.memory_space<hbm>> -> memref<80xf32, #tpu.memory_space<hbm>>
      %dma_wait3A_43 = arith.constant 0 : i32
      %dma_wait3A_44 = tpu.memref_slice %arg11[%dma_wait3A_43] : memref<320xf32, #tpu.memory_space<vmem>> -> memref<80xf32, #tpu.memory_space<vmem>>
      %dma_wait3A_45 = tpu.memref_slice %arg4[%mul3A_2] : memref<10000xf32, #tpu.memory_space<hbm>> -> memref<80xf32, #tpu.memory_space<hbm>>
      tpu.wait_dma2 semaphore(%arg16 : memref<!tpu.dma_semaphore, #tpu.memory_space<semaphore_mem>>) src(%dma_wait3A_45 : memref<80xf32, #tpu.memory_space<hbm>>) dst(%dma_wait3A_44 : memref<80xf32, #tpu.memory_space<vmem>>)
      %scan3A = arith.constant 0 : i32
      %scan3A_46 = arith.constant 0 : i32
      %scan3A_47 = arith.constant 5 : i32
      %scan3A_48 = arith.addi %scan3A_46, %scan3A_47 : i32
      %scan3A_49 = arith.constant 1 : i32
      scf.for %scan3A_99 = %scan3A_46 to %scan3A_48 step %scan3A_49  : i32 {
        %mul3A_100 = arith.constant 16 : i32
        %mul3A_101 = arith.muli %scan3A_99, %mul3A_100 : i32
        %get3A = arith.index_cast %mul3A_101 : i32 to index
        %get3A_102 = tpu.vector_load %arg9[%get3A] {strides = array<i32>} : memref<320xi32, #tpu.memory_space<vmem>>, vector<16xi32>,
        %get3A_103 = vector.shape_cast %get3A_102 : vector<16xi32> to vector<16xi32>
        %convert_element_type3A_104 = arith.sitofp %get3A_103 : vector<16xi32> to vector<16xf32>
        %get3A_105 = arith.index_cast %mul3A_101 : i32 to index
        %get3A_106 = tpu.vector_load %arg10[%get3A_105] {strides = array<i32>} : memref<320xf32, #tpu.memory_space<vmem>>, vector<16xf32>,
        %get3A_107 = vector.shape_cast %get3A_106 : vector<16xf32> to vector<16xf32>
        %get3A_108 = arith.index_cast %mul3A_101 : i32 to index
        %get3A_109 = tpu.vector_load %arg11[%get3A_108] {strides = array<i32>} : memref<320xf32, #tpu.memory_space<vmem>>, vector<16xf32>,
        %get3A_110 = vector.shape_cast %get3A_109 : vector<16xf32> to vector<16xf32>
        %eq3A_111 = arith.constant 2.000000e+00 : f32
        %eq3A_112 = vector.broadcast %eq3A_111 : f32 to vector<16xf32>
        %eq3A_113 = arith.cmpf oeq, %convert_element_type3A_104, %eq3A_112 : vector<16xf32>
        %select_n3A = arith.select %eq3A_113, %broadcast_in_dim3A_3, %broadcast_in_dim3A_5 : vector<16xi1>, vector<16xf32>
        %abs3A = math.absf %get3A_107 : vector<16xf32>
        %lt3A_114 = arith.constant 9.99999984E+17 : f32
        %lt3A_115 = vector.broadcast %lt3A_114 : f32 to vector<16xf32>
        %lt3A_116 = arith.cmpf olt, %abs3A, %lt3A_115 : vector<16xf32>
        %select_n3A_117 = arith.select %lt3A_116, %broadcast_in_dim3A_3, %broadcast_in_dim3A_5 : vector<16xi1>, vector<16xf32>
        %abs3A_118 = math.absf %get3A_110 : vector<16xf32>
        %lt3A_119 = arith.constant 9.99999984E+17 : f32
        %lt3A_120 = vector.broadcast %lt3A_119 : f32 to vector<16xf32>
        %lt3A_121 = arith.cmpf olt, %abs3A_118, %lt3A_120 : vector<16xf32>
        %select_n3A_122 = arith.select %lt3A_121, %broadcast_in_dim3A_3, %broadcast_in_dim3A_5 : vector<16xi1>, vector<16xf32>
        %sub3A = arith.subf %get3A_110, %get3A_107 : vector<16xf32>
        %le3A = arith.constant 1.000000e+01 : f32
        %le3A_123 = vector.broadcast %le3A : f32 to vector<16xf32>
        %le3A_124 = arith.cmpf ole, %sub3A, %le3A_123 : vector<16xf32>
        %select_n3A_125 = arith.select %le3A_124, %broadcast_in_dim3A_3, %broadcast_in_dim3A_5 : vector<16xi1>, vector<16xf32>
        %mul3A_126 = arith.mulf %select_n3A, %select_n3A_117 : vector<16xf32>
        %mul3A_127 = arith.mulf %mul3A_126, %select_n3A_122 : vector<16xf32>
        %mul3A_128 = arith.mulf %mul3A_127, %select_n3A_125 : vector<16xf32>
        %eq3A_129 = arith.constant 1.000000e+00 : f32
        %eq3A_130 = vector.broadcast %eq3A_129 : f32 to vector<16xf32>
        %eq3A_131 = arith.cmpf oeq, %convert_element_type3A_104, %eq3A_130 : vector<16xf32>
        %select_n3A_132 = arith.select %eq3A_131, %broadcast_in_dim3A_3, %broadcast_in_dim3A_5 : vector<16xi1>, vector<16xf32>
        %swap3A = arith.index_cast %mul3A_101 : i32 to index
        %swap3A_133 = tpu.vector_load %arg12[%swap3A] {strides = array<i32>} : memref<320xf32, #tpu.memory_space<vmem>>, vector<16xf32>,
        %swap3A_134 = vector.shape_cast %swap3A_133 : vector<16xf32> to vector<16xf32>
        %swap3A_135 = vector.shape_cast %select_n3A_132 : vector<16xf32> to vector<16xf32>
        tpu.vector_store %arg12[%swap3A], %swap3A_135 {strides = array<i32>} : memref<320xf32, #tpu.memory_space<vmem>>, vector<16xf32>,
        %swap3A_136 = arith.index_cast %mul3A_101 : i32 to index
        %swap3A_137 = tpu.vector_load %arg13[%swap3A_136] {strides = array<i32>} : memref<320xf32, #tpu.memory_space<vmem>>, vector<16xf32>,
        %swap3A_138 = vector.shape_cast %swap3A_137 : vector<16xf32> to vector<16xf32>
        %swap3A_139 = vector.shape_cast %mul3A_128 : vector<16xf32> to vector<16xf32>
        tpu.vector_store %arg13[%swap3A_136], %swap3A_139 {strides = array<i32>} : memref<320xf32, #tpu.memory_space<vmem>>, vector<16xf32>,
        %sub3A_140 = arith.subf %broadcast_in_dim3A_3, %mul3A_128 : vector<16xf32>
        %mul3A_141 = arith.mulf %select_n3A, %sub3A_140 : vector<16xf32>
        %swap3A_142 = arith.index_cast %mul3A_101 : i32 to index
        %swap3A_143 = tpu.vector_load %arg14[%swap3A_142] {strides = array<i32>} : memref<320xf32, #tpu.memory_space<vmem>>, vector<16xf32>,
        %swap3A_144 = vector.shape_cast %swap3A_143 : vector<16xf32> to vector<16xf32>
        %swap3A_145 = vector.shape_cast %mul3A_141 : vector<16xf32> to vector<16xf32>
        tpu.vector_store %arg14[%swap3A_142], %swap3A_145 {strides = array<i32>} : memref<320xf32, #tpu.memory_space<vmem>>, vector<16xf32>,
        %convert_element_type3A_146 = arith.fptosi %get3A_110 : vector<16xf32> to vector<16xi32>
        %convert_element_type3A_147 = arith.sitofp %convert_element_type3A_146 : vector<16xi32> to vector<16xf32>
        %lt3A_148 = arith.cmpf olt, %convert_element_type3A_147, %get3A_110 : vector<16xf32>
        %select_n3A_149 = arith.select %lt3A_148, %broadcast_in_dim3A_3, %broadcast_in_dim3A_5 : vector<16xi1>, vector<16xf32>
        %add3A_150 = arith.addf %convert_element_type3A_147, %select_n3A_149 : vector<16xf32>
        %convert_element_type3A_151 = arith.fptosi %get3A_107 : vector<16xf32> to vector<16xi32>
        %convert_element_type3A_152 = arith.sitofp %convert_element_type3A_151 : vector<16xi32> to vector<16xf32>
        %gt3A = arith.cmpf ogt, %convert_element_type3A_152, %get3A_107 : vector<16xf32>
        %select_n3A_153 = arith.select %gt3A, %broadcast_in_dim3A_3, %broadcast_in_dim3A_5 : vector<16xi1>, vector<16xf32>
        %sub3A_154 = arith.subf %convert_element_type3A_152, %select_n3A_153 : vector<16xf32>
        %sub3A_155 = arith.subf %add3A_150, %sub3A_154 : vector<16xf32>
        %add3A_156 = arith.constant 1.000000e+00 : f32
        %add3A_157 = vector.broadcast %add3A_156 : f32 to vector<16xf32>
        %add3A_158 = arith.addf %sub3A_155, %add3A_157 : vector<16xf32>
        %jit3A = arith.constant 1.000000e+00 : f32
        %jit3A_159 = arith.constant 1.100000e+01 : f32
        %max3A = vector.broadcast %jit3A : f32 to vector<16xf32>
        %max3A_160 = arith.maximumf %max3A, %add3A_158 : vector<16xf32>
        %min3A = vector.broadcast %jit3A_159 : f32 to vector<16xf32>
        %min3A_161 = arith.minimumf %min3A, %max3A_160 : vector<16xf32>
        %convert_element_type3A_162 = arith.fptosi %min3A_161 : vector<16xf32> to vector<16xi32>
        %swap3A_163 = arith.index_cast %mul3A_101 : i32 to index
        %swap3A_164 = tpu.vector_load %arg15[%swap3A_163] {strides = array<i32>} : memref<320xi32, #tpu.memory_space<vmem>>, vector<16xi32>,
        %swap3A_165 = vector.shape_cast %swap3A_164 : vector<16xi32> to vector<16xi32>
        %swap3A_166 = vector.shape_cast %convert_element_type3A_162 : vector<16xi32> to vector<16xi32>
        tpu.vector_store %arg15[%swap3A_163], %swap3A_166 {strides = array<i32>} : memref<320xi32, #tpu.memory_space<vmem>>, vector<16xi32>,
      }
      %scan3A_50 = arith.constant 5 : i32
      %dma_start3A_51 = arith.constant 0 : i32
      %dma_start3A_52 = tpu.memref_slice %arg12[%dma_start3A_51] : memref<320xf32, #tpu.memory_space<vmem>> -> memref<80xf32, #tpu.memory_space<vmem>>
      %dma_start3A_53 = tpu.memref_slice %arg5[%mul3A_2] : memref<10000xf32, #tpu.memory_space<hbm>> -> memref<80xf32, #tpu.memory_space<hbm>>
      %dma_start3A_54 = tpu.memref_slice %arg5[%mul3A_2] : memref<10000xf32, #tpu.memory_space<hbm>> -> memref<80xf32, #tpu.memory_space<hbm>>
      %dma_start3A_55 = arith.constant 0 : i32
      %dma_start3A_56 = tpu.memref_slice %arg12[%dma_start3A_55] : memref<320xf32, #tpu.memory_space<vmem>> -> memref<80xf32, #tpu.memory_space<vmem>>
      tpu.enqueue_dma source(%dma_start3A_56 : memref<80xf32, #tpu.memory_space<vmem>>) target(%dma_start3A_54 : memref<80xf32, #tpu.memory_space<hbm>>) target_semaphore(%arg16 : memref<!tpu.dma_semaphore, #tpu.memory_space<semaphore_mem>>)
      %dma_start3A_57 = arith.constant 0 : i32
      %dma_start3A_58 = tpu.memref_slice %arg13[%dma_start3A_57] : memref<320xf32, #tpu.memory_space<vmem>> -> memref<80xf32, #tpu.memory_space<vmem>>
      %dma_start3A_59 = tpu.memref_slice %arg6[%mul3A_2] : memref<10000xf32, #tpu.memory_space<hbm>> -> memref<80xf32, #tpu.memory_space<hbm>>
      %dma_start3A_60 = tpu.memref_slice %arg6[%mul3A_2] : memref<10000xf32, #tpu.memory_space<hbm>> -> memref<80xf32, #tpu.memory_space<hbm>>
      %dma_start3A_61 = arith.constant 0 : i32
      %dma_start3A_62 = tpu.memref_slice %arg13[%dma_start3A_61] : memref<320xf32, #tpu.memory_space<vmem>> -> memref<80xf32, #tpu.memory_space<vmem>>
      tpu.enqueue_dma source(%dma_start3A_62 : memref<80xf32, #tpu.memory_space<vmem>>) target(%dma_start3A_60 : memref<80xf32, #tpu.memory_space<hbm>>) target_semaphore(%arg16 : memref<!tpu.dma_semaphore, #tpu.memory_space<semaphore_mem>>)
      %dma_start3A_63 = arith.constant 0 : i32
      %dma_start3A_64 = tpu.memref_slice %arg14[%dma_start3A_63] : memref<320xf32, #tpu.memory_space<vmem>> -> memref<80xf32, #tpu.memory_space<vmem>>
      %dma_start3A_65 = tpu.memref_slice %arg7[%mul3A_2] : memref<10000xf32, #tpu.memory_space<hbm>> -> memref<80xf32, #tpu.memory_space<hbm>>
      %dma_start3A_66 = tpu.memref_slice %arg7[%mul3A_2] : memref<10000xf32, #tpu.memory_space<hbm>> -> memref<80xf32, #tpu.memory_space<hbm>>
      %dma_start3A_67 = arith.constant 0 : i32
      %dma_start3A_68 = tpu.memref_slice %arg14[%dma_start3A_67] : memref<320xf32, #tpu.memory_space<vmem>> -> memref<80xf32, #tpu.memory_space<vmem>>
      tpu.enqueue_dma source(%dma_start3A_68 : memref<80xf32, #tpu.memory_space<vmem>>) target(%dma_start3A_66 : memref<80xf32, #tpu.memory_space<hbm>>) target_semaphore(%arg16 : memref<!tpu.dma_semaphore, #tpu.memory_space<semaphore_mem>>)
      %dma_start3A_69 = arith.constant 0 : i32
      %dma_start3A_70 = tpu.memref_slice %arg15[%dma_start3A_69] : memref<320xi32, #tpu.memory_space<vmem>> -> memref<80xi32, #tpu.memory_space<vmem>>
      %dma_start3A_71 = tpu.memref_slice %arg8[%mul3A_2] : memref<10000xi32, #tpu.memory_space<hbm>> -> memref<80xi32, #tpu.memory_space<hbm>>
      %dma_start3A_72 = tpu.memref_slice %arg8[%mul3A_2] : memref<10000xi32, #tpu.memory_space<hbm>> -> memref<80xi32, #tpu.memory_space<hbm>>
      %dma_start3A_73 = arith.constant 0 : i32
      %dma_start3A_74 = tpu.memref_slice %arg15[%dma_start3A_73] : memref<320xi32, #tpu.memory_space<vmem>> -> memref<80xi32, #tpu.memory_space<vmem>>
      tpu.enqueue_dma source(%dma_start3A_74 : memref<80xi32, #tpu.memory_space<vmem>>) target(%dma_start3A_72 : memref<80xi32, #tpu.memory_space<hbm>>) target_semaphore(%arg16 : memref<!tpu.dma_semaphore, #tpu.memory_space<semaphore_mem>>)
      %dma_wait3A_75 = arith.constant 0 : i32
      %dma_wait3A_76 = tpu.memref_slice %arg12[%dma_wait3A_75] : memref<320xf32, #tpu.memory_space<vmem>> -> memref<80xf32, #tpu.memory_space<vmem>>
      %dma_wait3A_77 = tpu.memref_slice %arg5[%mul3A_2] : memref<10000xf32, #tpu.memory_space<hbm>> -> memref<80xf32, #tpu.memory_space<hbm>>
      %dma_wait3A_78 = tpu.memref_slice %arg5[%mul3A_2] : memref<10000xf32, #tpu.memory_space<hbm>> -> memref<80xf32, #tpu.memory_space<hbm>>
      %dma_wait3A_79 = arith.constant 0 : i32
      %dma_wait3A_80 = tpu.memref_slice %arg12[%dma_wait3A_79] : memref<320xf32, #tpu.memory_space<vmem>> -> memref<80xf32, #tpu.memory_space<vmem>>
      tpu.wait_dma2 semaphore(%arg16 : memref<!tpu.dma_semaphore, #tpu.memory_space<semaphore_mem>>) src(%dma_wait3A_80 : memref<80xf32, #tpu.memory_space<vmem>>) dst(%dma_wait3A_78 : memref<80xf32, #tpu.memory_space<hbm>>)
      %dma_wait3A_81 = arith.constant 0 : i32
      %dma_wait3A_82 = tpu.memref_slice %arg13[%dma_wait3A_81] : memref<320xf32, #tpu.memory_space<vmem>> -> memref<80xf32, #tpu.memory_space<vmem>>
      %dma_wait3A_83 = tpu.memref_slice %arg6[%mul3A_2] : memref<10000xf32, #tpu.memory_space<hbm>> -> memref<80xf32, #tpu.memory_space<hbm>>
      %dma_wait3A_84 = tpu.memref_slice %arg6[%mul3A_2] : memref<10000xf32, #tpu.memory_space<hbm>> -> memref<80xf32, #tpu.memory_space<hbm>>
      %dma_wait3A_85 = arith.constant 0 : i32
      %dma_wait3A_86 = tpu.memref_slice %arg13[%dma_wait3A_85] : memref<320xf32, #tpu.memory_space<vmem>> -> memref<80xf32, #tpu.memory_space<vmem>>
      tpu.wait_dma2 semaphore(%arg16 : memref<!tpu.dma_semaphore, #tpu.memory_space<semaphore_mem>>) src(%dma_wait3A_86 : memref<80xf32, #tpu.memory_space<vmem>>) dst(%dma_wait3A_84 : memref<80xf32, #tpu.memory_space<hbm>>)
      %dma_wait3A_87 = arith.constant 0 : i32
      %dma_wait3A_88 = tpu.memref_slice %arg14[%dma_wait3A_87] : memref<320xf32, #tpu.memory_space<vmem>> -> memref<80xf32, #tpu.memory_space<vmem>>
      %dma_wait3A_89 = tpu.memref_slice %arg7[%mul3A_2] : memref<10000xf32, #tpu.memory_space<hbm>> -> memref<80xf32, #tpu.memory_space<hbm>>
      %dma_wait3A_90 = tpu.memref_slice %arg7[%mul3A_2] : memref<10000xf32, #tpu.memory_space<hbm>> -> memref<80xf32, #tpu.memory_space<hbm>>
      %dma_wait3A_91 = arith.constant 0 : i32
      %dma_wait3A_92 = tpu.memref_slice %arg14[%dma_wait3A_91] : memref<320xf32, #tpu.memory_space<vmem>> -> memref<80xf32, #tpu.memory_space<vmem>>
      tpu.wait_dma2 semaphore(%arg16 : memref<!tpu.dma_semaphore, #tpu.memory_space<semaphore_mem>>) src(%dma_wait3A_92 : memref<80xf32, #tpu.memory_space<vmem>>) dst(%dma_wait3A_90 : memref<80xf32, #tpu.memory_space<hbm>>)
      %dma_wait3A_93 = arith.constant 0 : i32
      %dma_wait3A_94 = tpu.memref_slice %arg15[%dma_wait3A_93] : memref<320xi32, #tpu.memory_space<vmem>> -> memref<80xi32, #tpu.memory_space<vmem>>
      %dma_wait3A_95 = tpu.memref_slice %arg8[%mul3A_2] : memref<10000xi32, #tpu.memory_space<hbm>> -> memref<80xi32, #tpu.memory_space<hbm>>
      %dma_wait3A_96 = tpu.memref_slice %arg8[%mul3A_2] : memref<10000xi32, #tpu.memory_space<hbm>> -> memref<80xi32, #tpu.memory_space<hbm>>
      %dma_wait3A_97 = arith.constant 0 : i32
      %dma_wait3A_98 = tpu.memref_slice %arg15[%dma_wait3A_97] : memref<320xi32, #tpu.memory_space<vmem>> -> memref<80xi32, #tpu.memory_space<vmem>>
      tpu.wait_dma2 semaphore(%arg16 : memref<!tpu.dma_semaphore, #tpu.memory_space<semaphore_mem>>) src(%dma_wait3A_98 : memref<80xi32, #tpu.memory_space<vmem>>) dst(%dma_wait3A_96 : memref<80xi32, #tpu.memory_space<hbm>>)
    } else {
    }
    return
  }
}

module attributes {stable_mosaic.version = 14 : i64} {
  func.func @_fused_kernel(%arg0: i32, %arg1: memref<512x256xf32, #tpu.memory_space<vmem>>, %arg2: memref<2000x64xf32, #tpu.memory_space<vmem>>, %arg3: memref<2000x1xi32, #tpu.memory_space<vmem>>, %arg4: memref<1x512xi32, #tpu.memory_space<vmem>>, %arg5: memref<2000x256xf32, #tpu.memory_space<vmem>>, %arg6: memref<2000x1xf32, #tpu.memory_space<vmem>>, %arg7: memref<2000x1xf32, #tpu.memory_space<vmem>>, %arg8: memref<2000x1xf32, #tpu.memory_space<vmem>>, %arg9: memref<2000x1xi32, #tpu.memory_space<vmem>>, %arg10: memref<256x256xf32, #tpu.memory_space<vmem>>, %arg11: memref<256xf32, #tpu.memory_space<vmem>>, %arg12: memref<256xf32, #tpu.memory_space<vmem>>, %arg13: memref<256xf32, #tpu.memory_space<vmem>>, %arg14: memref<256xf32, #tpu.memory_space<vmem>>, %arg15: memref<256xf32, #tpu.memory_space<vmem>>, %arg16: memref<256x256xf32, #tpu.memory_space<vmem>>, %arg17: memref<256xf32, #tpu.memory_space<vmem>>, %arg18: memref<256x256xf32, #tpu.memory_space<vmem>>, %arg19: memref<256xf32, #tpu.memory_space<vmem>>, %arg20: memref<256x1xf32, #tpu.memory_space<vmem>>, %arg21: memref<1xf32, #tpu.memory_space<vmem>>, %arg22: memref<256xf32, #tpu.memory_space<vmem>>, %arg23: memref<256xf32, #tpu.memory_space<vmem>>, %arg24: memref<256x256xf32, #tpu.memory_space<vmem>>, %arg25: memref<256xf32, #tpu.memory_space<vmem>>, %arg26: memref<256x256xf32, #tpu.memory_space<vmem>>, %arg27: memref<256xf32, #tpu.memory_space<vmem>>, %arg28: memref<256x11xf32, #tpu.memory_space<vmem>>, %arg29: memref<11xf32, #tpu.memory_space<vmem>>, %arg30: memref<256xf32, #tpu.memory_space<vmem>>, %arg31: memref<256xf32, #tpu.memory_space<vmem>>, %arg32: memref<256x256xf32, #tpu.memory_space<vmem>>, %arg33: memref<256xf32, #tpu.memory_space<vmem>>, %arg34: memref<256x256xf32, #tpu.memory_space<vmem>>, %arg35: memref<256xf32, #tpu.memory_space<vmem>>, %arg36: memref<256x1xf32, #tpu.memory_space<vmem>>, %arg37: memref<1xf32, #tpu.memory_space<vmem>>, %arg38: memref<2000x256xf32, #tpu.memory_space<vmem>>, %arg39: memref<2000x1xf32, #tpu.memory_space<vmem>>, %arg40: memref<2000x11xf32, #tpu.memory_space<vmem>>, %arg41: memref<2000x1xf32, #tpu.memory_space<vmem>>, %arg42: memref<512x256xbf16, #tpu.memory_space<vmem>>, %arg43: memref<256x768xbf16, #tpu.memory_space<vmem>>, %arg44: memref<1x768xbf16, #tpu.memory_space<vmem>>, %arg45: memref<256x768xbf16, #tpu.memory_space<vmem>>, %arg46: memref<1x768xbf16, #tpu.memory_space<vmem>>, %arg47: memref<256x384xbf16, #tpu.memory_space<vmem>>) attributes {dimension_semantics = [#tpu.dimension_semantics<arbitrary>], iteration_bounds = array<i64: 5>, scalar_prefetch = 0 : i64, scratch_operands = 6 : i64, tpu.core_type = #tpu.core_type<tc>, window_params = [{pipeline_mode = #tpu.pipeline_mode<synchronous>, transform_indices = @transform_0, window_bounds = array<i64: 512, 256>}, {transform_indices = @transform_1, window_bounds = array<i64: 2000, 64>}, {transform_indices = @transform_2, window_bounds = array<i64: 2000, 1>}, {pipeline_mode = #tpu.pipeline_mode<synchronous>, transform_indices = @transform_3, window_bounds = array<i64: 1, 512>}, {transform_indices = @transform_4, window_bounds = array<i64: 2000, 256>}, {transform_indices = @transform_5, window_bounds = array<i64: 2000, 1>}, {transform_indices = @transform_6, window_bounds = array<i64: 2000, 1>}, {transform_indices = @transform_7, window_bounds = array<i64: 2000, 1>}, {transform_indices = @transform_8, window_bounds = array<i64: 2000, 1>}, {pipeline_mode = #tpu.pipeline_mode<synchronous>, transform_indices = @transform_9, window_bounds = array<i64: 256, 256>}, {pipeline_mode = #tpu.pipeline_mode<synchronous>, transform_indices = @transform_10, window_bounds = array<i64: 256>}, {pipeline_mode = #tpu.pipeline_mode<synchronous>, transform_indices = @transform_11, window_bounds = array<i64: 256>}, {pipeline_mode = #tpu.pipeline_mode<synchronous>, transform_indices = @transform_12, window_bounds = array<i64: 256>}, {pipeline_mode = #tpu.pipeline_mode<synchronous>, transform_indices = @transform_13, window_bounds = array<i64: 256>}, {pipeline_mode = #tpu.pipeline_mode<synchronous>, transform_indices = @transform_14, window_bounds = array<i64: 256>}, {pipeline_mode = #tpu.pipeline_mode<synchronous>, transform_indices = @transform_15, window_bounds = array<i64: 256, 256>}, {pipeline_mode = #tpu.pipeline_mode<synchronous>, transform_indices = @transform_16, window_bounds = array<i64: 256>}, {pipeline_mode = #tpu.pipeline_mode<synchronous>, transform_indices = @transform_17, window_bounds = array<i64: 256, 256>}, {pipeline_mode = #tpu.pipeline_mode<synchronous>, transform_indices = @transform_18, window_bounds = array<i64: 256>}, {pipeline_mode = #tpu.pipeline_mode<synchronous>, transform_indices = @transform_19, window_bounds = array<i64: 256, 1>}, {pipeline_mode = #tpu.pipeline_mode<synchronous>, transform_indices = @transform_20, window_bounds = array<i64: 1>}, {pipeline_mode = #tpu.pipeline_mode<synchronous>, transform_indices = @transform_21, window_bounds = array<i64: 256>}, {pipeline_mode = #tpu.pipeline_mode<synchronous>, transform_indices = @transform_22, window_bounds = array<i64: 256>}, {pipeline_mode = #tpu.pipeline_mode<synchronous>, transform_indices = @transform_23, window_bounds = array<i64: 256, 256>}, {pipeline_mode = #tpu.pipeline_mode<synchronous>, transform_indices = @transform_24, window_bounds = array<i64: 256>}, {pipeline_mode = #tpu.pipeline_mode<synchronous>, transform_indices = @transform_25, window_bounds = array<i64: 256, 256>}, {pipeline_mode = #tpu.pipeline_mode<synchronous>, transform_indices = @transform_26, window_bounds = array<i64: 256>}, {pipeline_mode = #tpu.pipeline_mode<synchronous>, transform_indices = @transform_27, window_bounds = array<i64: 256, 11>}, {pipeline_mode = #tpu.pipeline_mode<synchronous>, transform_indices = @transform_28, window_bounds = array<i64: 11>}, {pipeline_mode = #tpu.pipeline_mode<synchronous>, transform_indices = @transform_29, window_bounds = array<i64: 256>}, {pipeline_mode = #tpu.pipeline_mode<synchronous>, transform_indices = @transform_30, window_bounds = array<i64: 256>}, {pipeline_mode = #tpu.pipeline_mode<synchronous>, transform_indices = @transform_31, window_bounds = array<i64: 256, 256>}, {pipeline_mode = #tpu.pipeline_mode<synchronous>, transform_indices = @transform_32, window_bounds = array<i64: 256>}, {pipeline_mode = #tpu.pipeline_mode<synchronous>, transform_indices = @transform_33, window_bounds = array<i64: 256, 256>}, {pipeline_mode = #tpu.pipeline_mode<synchronous>, transform_indices = @transform_34, window_bounds = array<i64: 256>}, {pipeline_mode = #tpu.pipeline_mode<synchronous>, transform_indices = @transform_35, window_bounds = array<i64: 256, 1>}, {pipeline_mode = #tpu.pipeline_mode<synchronous>, transform_indices = @transform_36, window_bounds = array<i64: 1>}, {transform_indices = @transform_37, window_bounds = array<i64: 2000, 256>}, {transform_indices = @transform_38, window_bounds = array<i64: 2000, 1>}, {transform_indices = @transform_39, window_bounds = array<i64: 2000, 11>}, {transform_indices = @transform_40, window_bounds = array<i64: 2000, 1>}]} {
    %eq3A = arith.constant 0 : i32
    %eq3A_0 = arith.cmpi eq, %arg0, %eq3A : i32
    %convert_element_type3A = arith.extui %eq3A_0 : i1 to i32
    %cond3A = arith.constant 0 : i32
    %cond3A_1 = arith.cmpi ne, %convert_element_type3A, %cond3A : i32
    scf.if %cond3A_1 {
      %get3A_255 = arith.constant 0 : index
      %get3A_256 = arith.constant 0 : index
      %get3A_257 = vector.load %arg1[%get3A_255, %get3A_256] : memref<512x256xf32, #tpu.memory_space<vmem>>, vector<512x256xf32>
      %get3A_258 = arith.constant 0 : index
      %get3A_259 = arith.constant 0 : index
      %get3A_260 = vector.load %arg10[%get3A_258, %get3A_259] : memref<256x256xf32, #tpu.memory_space<vmem>>, vector<256x256xf32>
      %dot_general3A_261 = arith.constant dense<0.000000e+00> : vector<512x256xf32>
      %dot_general3A_262 = tpu.matmul %get3A_257, %get3A_260, %dot_general3A_261 {dimension_numbers = #tpu.dot_dimension_numbers<[1], [0], [0], [1], [0, 0, 1, 1], [], []>, transpose_lhs_hint = false} : vector<512x256xf32>, vector<256x256xf32>, vector<512x256xf32> -> vector<512x256xf32>
      %convert_element_type3A_263 = arith.truncf %dot_general3A_262 : vector<512x256xf32> to vector<512x256xbf16>
      %swap3A_264 = arith.constant 0 : index
      %swap3A_265 = arith.constant 0 : index
      %swap3A_266 = vector.load %arg42[%swap3A_264, %swap3A_265] : memref<512x256xbf16, #tpu.memory_space<vmem>>, vector<512x256xbf16>
      tpu.vector_store %arg42[%swap3A_264, %swap3A_265], %convert_element_type3A_263 {strides = array<i32>} : memref<512x256xbf16, #tpu.memory_space<vmem>>, vector<512x256xbf16>,
      %get3A_267 = arith.constant 0 : index
      %get3A_268 = vector.load %arg14[%get3A_267] : memref<256xf32, #tpu.memory_space<vmem>>, vector<256xf32>
      %broadcast_in_dim3A_269 = vector.shape_cast %get3A_268 : vector<256xf32> to vector<256x1xf32>
      %get3A_270 = arith.constant 0 : index
      %get3A_271 = arith.constant 0 : index
      %get3A_272 = vector.load %arg16[%get3A_270, %get3A_271] : memref<256x256xf32, #tpu.memory_space<vmem>>, vector<256x256xf32>
      %mul3A_273 = vector.broadcast %broadcast_in_dim3A_269 : vector<256x1xf32> to vector<256x256xf32>
      %mul3A_274 = arith.mulf %mul3A_273, %get3A_272 : vector<256x256xf32>
      %convert_element_type3A_275 = arith.truncf %mul3A_274 : vector<256x256xf32> to vector<256x256xbf16>
      %swap3A_276 = arith.constant 0 : index
      %swap3A_277 = arith.constant 0 : index
      %swap3A_278 = vector.load %arg43[%swap3A_276, %swap3A_277] : memref<256x768xbf16, #tpu.memory_space<vmem>>, vector<256x256xbf16>
      tpu.vector_store %arg43[%swap3A_276, %swap3A_277], %convert_element_type3A_275 {strides = array<i32>} : memref<256x768xbf16, #tpu.memory_space<vmem>>, vector<256x256xbf16>,
      %get3A_279 = arith.constant 0 : index
      %get3A_280 = vector.load %arg15[%get3A_279] : memref<256xf32, #tpu.memory_space<vmem>>, vector<256xf32>
      %broadcast_in_dim3A_281 = vector.shape_cast %get3A_280 : vector<256xf32> to vector<1x256xf32>
      %get3A_282 = arith.constant 0 : index
      %get3A_283 = arith.constant 0 : index
      %get3A_284 = vector.load %arg16[%get3A_282, %get3A_283] : memref<256x256xf32, #tpu.memory_space<vmem>>, vector<256x256xf32>
      %dot_general3A_285 = arith.constant dense<0.000000e+00> : vector<1x256xf32>
      %dot_general3A_286 = tpu.matmul %broadcast_in_dim3A_281, %get3A_284, %dot_general3A_285 {dimension_numbers = #tpu.dot_dimension_numbers<[1], [0], [0], [1], [0, 0, 1, 1], [], []>, transpose_lhs_hint = false} : vector<1x256xf32>, vector<256x256xf32>, vector<1x256xf32> -> vector<1x256xf32>
      %squeeze3A = vector.shape_cast %dot_general3A_286 : vector<1x256xf32> to vector<256xf32>
      %get3A_287 = arith.constant 0 : index
      %get3A_288 = vector.load %arg17[%get3A_287] : memref<256xf32, #tpu.memory_space<vmem>>, vector<256xf32>
      %add3A_289 = arith.addf %squeeze3A, %get3A_288 : vector<256xf32>
      %convert_element_type3A_290 = arith.truncf %add3A_289 : vector<256xf32> to vector<256xbf16>
      %swap3A_291 = arith.constant 0 : index
      %swap3A_292 = arith.constant 0 : index
      %swap3A_293 = vector.load %arg44[%swap3A_291, %swap3A_292] : memref<1x768xbf16, #tpu.memory_space<vmem>>, vector<1x256xbf16>
      %swap3A_294 = vector.shape_cast %swap3A_293 : vector<1x256xbf16> to vector<256xbf16>
      %swap3A_295 = vector.shape_cast %convert_element_type3A_290 : vector<256xbf16> to vector<1x256xbf16>
      tpu.vector_store %arg44[%swap3A_291, %swap3A_292], %swap3A_295 {strides = array<i32>} : memref<1x768xbf16, #tpu.memory_space<vmem>>, vector<1x256xbf16>,
      %get3A_296 = arith.constant 0 : index
      %get3A_297 = arith.constant 0 : index
      %get3A_298 = vector.load %arg18[%get3A_296, %get3A_297] : memref<256x256xf32, #tpu.memory_space<vmem>>, vector<256x256xf32>
      %convert_element_type3A_299 = arith.truncf %get3A_298 : vector<256x256xf32> to vector<256x256xbf16>
      %swap3A_300 = arith.constant 0 : index
      %swap3A_301 = arith.constant 0 : index
      %swap3A_302 = vector.load %arg45[%swap3A_300, %swap3A_301] : memref<256x768xbf16, #tpu.memory_space<vmem>>, vector<256x256xbf16>
      tpu.vector_store %arg45[%swap3A_300, %swap3A_301], %convert_element_type3A_299 {strides = array<i32>} : memref<256x768xbf16, #tpu.memory_space<vmem>>, vector<256x256xbf16>,
      %get3A_303 = arith.constant 0 : index
      %get3A_304 = vector.load %arg19[%get3A_303] : memref<256xf32, #tpu.memory_space<vmem>>, vector<256xf32>
      %convert_element_type3A_305 = arith.truncf %get3A_304 : vector<256xf32> to vector<256xbf16>
      %swap3A_306 = arith.constant 0 : index
      %swap3A_307 = arith.constant 0 : index
      %swap3A_308 = vector.load %arg46[%swap3A_306, %swap3A_307] : memref<1x768xbf16, #tpu.memory_space<vmem>>, vector<1x256xbf16>
      %swap3A_309 = vector.shape_cast %swap3A_308 : vector<1x256xbf16> to vector<256xbf16>
      %swap3A_310 = vector.shape_cast %convert_element_type3A_305 : vector<256xbf16> to vector<1x256xbf16>
      tpu.vector_store %arg46[%swap3A_306, %swap3A_307], %swap3A_310 {strides = array<i32>} : memref<1x768xbf16, #tpu.memory_space<vmem>>, vector<1x256xbf16>,
      %get3A_311 = arith.constant 0 : index
      %get3A_312 = arith.constant 0 : index
      %get3A_313 = vector.load %arg20[%get3A_311, %get3A_312] : memref<256x1xf32, #tpu.memory_space<vmem>>, vector<256x1xf32>
      %convert_element_type3A_314 = arith.truncf %get3A_313 : vector<256x1xf32> to vector<256x1xbf16>
      %swap3A_315 = arith.constant 0 : index
      %swap3A_316 = arith.constant 0 : index
      %swap3A_317 = vector.load %arg47[%swap3A_315, %swap3A_316] : memref<256x384xbf16, #tpu.memory_space<vmem>>, vector<256x1xbf16>
      tpu.vector_store %arg47[%swap3A_315, %swap3A_316], %convert_element_type3A_314 {strides = array<i32>} : memref<256x384xbf16, #tpu.memory_space<vmem>>, vector<256x1xbf16>,
      %get3A_318 = arith.constant 0 : index
      %get3A_319 = vector.load %arg22[%get3A_318] : memref<256xf32, #tpu.memory_space<vmem>>, vector<256xf32>
      %broadcast_in_dim3A_320 = vector.shape_cast %get3A_319 : vector<256xf32> to vector<256x1xf32>
      %get3A_321 = arith.constant 0 : index
      %get3A_322 = arith.constant 0 : index
      %get3A_323 = vector.load %arg24[%get3A_321, %get3A_322] : memref<256x256xf32, #tpu.memory_space<vmem>>, vector<256x256xf32>
      %mul3A_324 = vector.broadcast %broadcast_in_dim3A_320 : vector<256x1xf32> to vector<256x256xf32>
      %mul3A_325 = arith.mulf %mul3A_324, %get3A_323 : vector<256x256xf32>
      %convert_element_type3A_326 = arith.truncf %mul3A_325 : vector<256x256xf32> to vector<256x256xbf16>
      %swap3A_327 = arith.constant 0 : index
      %swap3A_328 = arith.constant 256 : index
      %swap3A_329 = vector.load %arg43[%swap3A_327, %swap3A_328] : memref<256x768xbf16, #tpu.memory_space<vmem>>, vector<256x256xbf16>
      tpu.vector_store %arg43[%swap3A_327, %swap3A_328], %convert_element_type3A_326 {strides = array<i32>} : memref<256x768xbf16, #tpu.memory_space<vmem>>, vector<256x256xbf16>,
      %get3A_330 = arith.constant 0 : index
      %get3A_331 = vector.load %arg23[%get3A_330] : memref<256xf32, #tpu.memory_space<vmem>>, vector<256xf32>
      %broadcast_in_dim3A_332 = vector.shape_cast %get3A_331 : vector<256xf32> to vector<1x256xf32>
      %get3A_333 = arith.constant 0 : index
      %get3A_334 = arith.constant 0 : index
      %get3A_335 = vector.load %arg24[%get3A_333, %get3A_334] : memref<256x256xf32, #tpu.memory_space<vmem>>, vector<256x256xf32>
      %dot_general3A_336 = arith.constant dense<0.000000e+00> : vector<1x256xf32>
      %dot_general3A_337 = tpu.matmul %broadcast_in_dim3A_332, %get3A_335, %dot_general3A_336 {dimension_numbers = #tpu.dot_dimension_numbers<[1], [0], [0], [1], [0, 0, 1, 1], [], []>, transpose_lhs_hint = false} : vector<1x256xf32>, vector<256x256xf32>, vector<1x256xf32> -> vector<1x256xf32>
      %squeeze3A_338 = vector.shape_cast %dot_general3A_337 : vector<1x256xf32> to vector<256xf32>
      %get3A_339 = arith.constant 0 : index
      %get3A_340 = vector.load %arg25[%get3A_339] : memref<256xf32, #tpu.memory_space<vmem>>, vector<256xf32>
      %add3A_341 = arith.addf %squeeze3A_338, %get3A_340 : vector<256xf32>
      %convert_element_type3A_342 = arith.truncf %add3A_341 : vector<256xf32> to vector<256xbf16>
      %swap3A_343 = arith.constant 0 : index
      %swap3A_344 = arith.constant 256 : index
      %swap3A_345 = vector.load %arg44[%swap3A_343, %swap3A_344] : memref<1x768xbf16, #tpu.memory_space<vmem>>, vector<1x256xbf16>
      %swap3A_346 = vector.shape_cast %swap3A_345 : vector<1x256xbf16> to vector<256xbf16>
      %swap3A_347 = vector.shape_cast %convert_element_type3A_342 : vector<256xbf16> to vector<1x256xbf16>
      tpu.vector_store %arg44[%swap3A_343, %swap3A_344], %swap3A_347 {strides = array<i32>} : memref<1x768xbf16, #tpu.memory_space<vmem>>, vector<1x256xbf16>,
      %get3A_348 = arith.constant 0 : index
      %get3A_349 = arith.constant 0 : index
      %get3A_350 = vector.load %arg26[%get3A_348, %get3A_349] : memref<256x256xf32, #tpu.memory_space<vmem>>, vector<256x256xf32>
      %convert_element_type3A_351 = arith.truncf %get3A_350 : vector<256x256xf32> to vector<256x256xbf16>
      %swap3A_352 = arith.constant 0 : index
      %swap3A_353 = arith.constant 256 : index
      %swap3A_354 = vector.load %arg45[%swap3A_352, %swap3A_353] : memref<256x768xbf16, #tpu.memory_space<vmem>>, vector<256x256xbf16>
      tpu.vector_store %arg45[%swap3A_352, %swap3A_353], %convert_element_type3A_351 {strides = array<i32>} : memref<256x768xbf16, #tpu.memory_space<vmem>>, vector<256x256xbf16>,
      %get3A_355 = arith.constant 0 : index
      %get3A_356 = vector.load %arg27[%get3A_355] : memref<256xf32, #tpu.memory_space<vmem>>, vector<256xf32>
      %convert_element_type3A_357 = arith.truncf %get3A_356 : vector<256xf32> to vector<256xbf16>
      %swap3A_358 = arith.constant 0 : index
      %swap3A_359 = arith.constant 256 : index
      %swap3A_360 = vector.load %arg46[%swap3A_358, %swap3A_359] : memref<1x768xbf16, #tpu.memory_space<vmem>>, vector<1x256xbf16>
      %swap3A_361 = vector.shape_cast %swap3A_360 : vector<1x256xbf16> to vector<256xbf16>
      %swap3A_362 = vector.shape_cast %convert_element_type3A_357 : vector<256xbf16> to vector<1x256xbf16>
      tpu.vector_store %arg46[%swap3A_358, %swap3A_359], %swap3A_362 {strides = array<i32>} : memref<1x768xbf16, #tpu.memory_space<vmem>>, vector<1x256xbf16>,
      %get3A_363 = arith.constant 0 : index
      %get3A_364 = arith.constant 0 : index
      %get3A_365 = vector.load %arg28[%get3A_363, %get3A_364] : memref<256x11xf32, #tpu.memory_space<vmem>>, vector<256x11xf32>
      %convert_element_type3A_366 = arith.truncf %get3A_365 : vector<256x11xf32> to vector<256x11xbf16>
      %swap3A_367 = arith.constant 0 : index
      %swap3A_368 = arith.constant 128 : index
      %swap3A_369 = vector.load %arg47[%swap3A_367, %swap3A_368] : memref<256x384xbf16, #tpu.memory_space<vmem>>, vector<256x11xbf16>
      tpu.vector_store %arg47[%swap3A_367, %swap3A_368], %convert_element_type3A_366 {strides = array<i32>} : memref<256x384xbf16, #tpu.memory_space<vmem>>, vector<256x11xbf16>,
      %get3A_370 = arith.constant 0 : index
      %get3A_371 = vector.load %arg30[%get3A_370] : memref<256xf32, #tpu.memory_space<vmem>>, vector<256xf32>
      %broadcast_in_dim3A_372 = vector.shape_cast %get3A_371 : vector<256xf32> to vector<256x1xf32>
      %get3A_373 = arith.constant 0 : index
      %get3A_374 = arith.constant 0 : index
      %get3A_375 = vector.load %arg32[%get3A_373, %get3A_374] : memref<256x256xf32, #tpu.memory_space<vmem>>, vector<256x256xf32>
      %mul3A_376 = vector.broadcast %broadcast_in_dim3A_372 : vector<256x1xf32> to vector<256x256xf32>
      %mul3A_377 = arith.mulf %mul3A_376, %get3A_375 : vector<256x256xf32>
      %convert_element_type3A_378 = arith.truncf %mul3A_377 : vector<256x256xf32> to vector<256x256xbf16>
      %swap3A_379 = arith.constant 0 : index
      %swap3A_380 = arith.constant 512 : index
      %swap3A_381 = vector.load %arg43[%swap3A_379, %swap3A_380] : memref<256x768xbf16, #tpu.memory_space<vmem>>, vector<256x256xbf16>
      tpu.vector_store %arg43[%swap3A_379, %swap3A_380], %convert_element_type3A_378 {strides = array<i32>} : memref<256x768xbf16, #tpu.memory_space<vmem>>, vector<256x256xbf16>,
      %get3A_382 = arith.constant 0 : index
      %get3A_383 = vector.load %arg31[%get3A_382] : memref<256xf32, #tpu.memory_space<vmem>>, vector<256xf32>
      %broadcast_in_dim3A_384 = vector.shape_cast %get3A_383 : vector<256xf32> to vector<1x256xf32>
      %get3A_385 = arith.constant 0 : index
      %get3A_386 = arith.constant 0 : index
      %get3A_387 = vector.load %arg32[%get3A_385, %get3A_386] : memref<256x256xf32, #tpu.memory_space<vmem>>, vector<256x256xf32>
      %dot_general3A_388 = arith.constant dense<0.000000e+00> : vector<1x256xf32>
      %dot_general3A_389 = tpu.matmul %broadcast_in_dim3A_384, %get3A_387, %dot_general3A_388 {dimension_numbers = #tpu.dot_dimension_numbers<[1], [0], [0], [1], [0, 0, 1, 1], [], []>, transpose_lhs_hint = false} : vector<1x256xf32>, vector<256x256xf32>, vector<1x256xf32> -> vector<1x256xf32>
      %squeeze3A_390 = vector.shape_cast %dot_general3A_389 : vector<1x256xf32> to vector<256xf32>
      %get3A_391 = arith.constant 0 : index
      %get3A_392 = vector.load %arg33[%get3A_391] : memref<256xf32, #tpu.memory_space<vmem>>, vector<256xf32>
      %add3A_393 = arith.addf %squeeze3A_390, %get3A_392 : vector<256xf32>
      %convert_element_type3A_394 = arith.truncf %add3A_393 : vector<256xf32> to vector<256xbf16>
      %swap3A_395 = arith.constant 0 : index
      %swap3A_396 = arith.constant 512 : index
      %swap3A_397 = vector.load %arg44[%swap3A_395, %swap3A_396] : memref<1x768xbf16, #tpu.memory_space<vmem>>, vector<1x256xbf16>
      %swap3A_398 = vector.shape_cast %swap3A_397 : vector<1x256xbf16> to vector<256xbf16>
      %swap3A_399 = vector.shape_cast %convert_element_type3A_394 : vector<256xbf16> to vector<1x256xbf16>
      tpu.vector_store %arg44[%swap3A_395, %swap3A_396], %swap3A_399 {strides = array<i32>} : memref<1x768xbf16, #tpu.memory_space<vmem>>, vector<1x256xbf16>,
      %get3A_400 = arith.constant 0 : index
      %get3A_401 = arith.constant 0 : index
      %get3A_402 = vector.load %arg34[%get3A_400, %get3A_401] : memref<256x256xf32, #tpu.memory_space<vmem>>, vector<256x256xf32>
      %convert_element_type3A_403 = arith.truncf %get3A_402 : vector<256x256xf32> to vector<256x256xbf16>
      %swap3A_404 = arith.constant 0 : index
      %swap3A_405 = arith.constant 512 : index
      %swap3A_406 = vector.load %arg45[%swap3A_404, %swap3A_405] : memref<256x768xbf16, #tpu.memory_space<vmem>>, vector<256x256xbf16>
      tpu.vector_store %arg45[%swap3A_404, %swap3A_405], %convert_element_type3A_403 {strides = array<i32>} : memref<256x768xbf16, #tpu.memory_space<vmem>>, vector<256x256xbf16>,
      %get3A_407 = arith.constant 0 : index
      %get3A_408 = vector.load %arg35[%get3A_407] : memref<256xf32, #tpu.memory_space<vmem>>, vector<256xf32>
      %convert_element_type3A_409 = arith.truncf %get3A_408 : vector<256xf32> to vector<256xbf16>
      %swap3A_410 = arith.constant 0 : index
      %swap3A_411 = arith.constant 512 : index
      %swap3A_412 = vector.load %arg46[%swap3A_410, %swap3A_411] : memref<1x768xbf16, #tpu.memory_space<vmem>>, vector<1x256xbf16>
      %swap3A_413 = vector.shape_cast %swap3A_412 : vector<1x256xbf16> to vector<256xbf16>
      %swap3A_414 = vector.shape_cast %convert_element_type3A_409 : vector<256xbf16> to vector<1x256xbf16>
      tpu.vector_store %arg46[%swap3A_410, %swap3A_411], %swap3A_414 {strides = array<i32>} : memref<1x768xbf16, #tpu.memory_space<vmem>>, vector<1x256xbf16>,
      %get3A_415 = arith.constant 0 : index
      %get3A_416 = arith.constant 0 : index
      %get3A_417 = vector.load %arg36[%get3A_415, %get3A_416] : memref<256x1xf32, #tpu.memory_space<vmem>>, vector<256x1xf32>
      %convert_element_type3A_418 = arith.truncf %get3A_417 : vector<256x1xf32> to vector<256x1xbf16>
      %swap3A_419 = arith.constant 0 : index
      %swap3A_420 = arith.constant 256 : index
      %swap3A_421 = vector.load %arg47[%swap3A_419, %swap3A_420] : memref<256x384xbf16, #tpu.memory_space<vmem>>, vector<256x1xbf16>
      tpu.vector_store %arg47[%swap3A_419, %swap3A_420], %convert_element_type3A_418 {strides = array<i32>} : memref<256x384xbf16, #tpu.memory_space<vmem>>, vector<256x1xbf16>,
    } else {
    }
    %get3A = arith.constant 0 : index
    %get3A_2 = arith.constant 0 : index
    %get3A_3 = vector.load %arg2[%get3A, %get3A_2] : memref<2000x64xf32, #tpu.memory_space<vmem>>, vector<2000x64xf32>
    %convert_element_type3A_4 = arith.truncf %get3A_3 : vector<2000x64xf32> to vector<2000x64xbf16>
    %get3A_5 = arith.constant 0 : index
    %get3A_6 = arith.constant 0 : index
    %get3A_7 = vector.load %arg3[%get3A_5, %get3A_6] : memref<2000x1xi32, #tpu.memory_space<vmem>>, vector<2000x1xi32>
    %concatenate3A = tpu.concatenate %convert_element_type3A_4, %convert_element_type3A_4, %convert_element_type3A_4, %convert_element_type3A_4, %convert_element_type3A_4, %convert_element_type3A_4, %convert_element_type3A_4, %convert_element_type3A_4 in 1 : vector<2000x64xbf16>, vector<2000x64xbf16>, vector<2000x64xbf16>, vector<2000x64xbf16>, vector<2000x64xbf16>, vector<2000x64xbf16>, vector<2000x64xbf16>, vector<2000x64xbf16> -> vector<2000x512xbf16>
    %get3A_8 = arith.constant 0 : index
    %get3A_9 = arith.constant 0 : index
    %get3A_10 = vector.load %arg4[%get3A_8, %get3A_9] : memref<1x512xi32, #tpu.memory_space<vmem>>, vector<1x512xi32>
    %eq3A_11 = vector.broadcast %get3A_10 : vector<1x512xi32> to vector<2000x512xi32>
    %eq3A_12 = vector.broadcast %get3A_7 : vector<2000x1xi32> to vector<2000x512xi32>
    %eq3A_13 = arith.cmpi eq, %eq3A_11, %eq3A_12 : vector<2000x512xi32>
    %jit3A = arith.constant 0.000000e+00 : bf16
    %broadcast_in_dim3A = vector.broadcast %jit3A : bf16 to vector<2000x512xbf16>
    %select_n3A = arith.select %eq3A_13, %concatenate3A, %broadcast_in_dim3A : vector<2000x512xi1>, vector<2000x512xbf16>
    %get3A_14 = arith.constant 0 : index
    %get3A_15 = arith.constant 0 : index
    %get3A_16 = vector.load %arg42[%get3A_14, %get3A_15] : memref<512x256xbf16, #tpu.memory_space<vmem>>, vector<512x256xbf16>
    %dot_general3A = arith.constant dense<0.000000e+00> : vector<2000x256xf32>
    %dot_general3A_17 = tpu.matmul %select_n3A, %get3A_16, %dot_general3A {dimension_numbers = #tpu.dot_dimension_numbers<[1], [0], [0], [1], [0, 0, 1, 1], [], []>, transpose_lhs_hint = false} : vector<2000x512xbf16>, vector<512x256xbf16>, vector<2000x256xf32> -> vector<2000x256xf32>
    %get3A_18 = arith.constant 0 : index
    %get3A_19 = vector.load %arg11[%get3A_18] : memref<256xf32, #tpu.memory_space<vmem>>, vector<256xf32>
    %broadcast_in_dim3A_20 = vector.shape_cast %get3A_19 : vector<256xf32> to vector<1x256xf32>
    %add3A = vector.broadcast %broadcast_in_dim3A_20 : vector<1x256xf32> to vector<2000x256xf32>
    %add3A_21 = arith.addf %dot_general3A_17, %add3A : vector<2000x256xf32>
    %get3A_22 = arith.constant 0 : index
    %get3A_23 = arith.constant 0 : index
    %get3A_24 = vector.load %arg5[%get3A_22, %get3A_23] : memref<2000x256xf32, #tpu.memory_space<vmem>>, vector<2000x256xf32>
    %add3A_25 = arith.addf %add3A_21, %get3A_24 : vector<2000x256xf32>
    %convert_element_type3A_26 = arith.truncf %add3A_25 : vector<2000x256xf32> to vector<2000x256xbf16>
    %broadcast_in_dim3A_27 = arith.constant 3.906250e-03 : bf16
    %broadcast_in_dim3A_28 = vector.broadcast %broadcast_in_dim3A_27 : bf16 to vector<256x1xbf16>
    %dot_general3A_29 = arith.constant dense<0.000000e+00> : vector<2000x1xf32>
    %dot_general3A_30 = tpu.matmul %convert_element_type3A_26, %broadcast_in_dim3A_28, %dot_general3A_29 {dimension_numbers = #tpu.dot_dimension_numbers<[1], [0], [0], [1], [0, 0, 1, 1], [], []>, transpose_lhs_hint = false} : vector<2000x256xbf16>, vector<256x1xbf16>, vector<2000x1xf32> -> vector<2000x1xf32>
    %mul3A = arith.mulf %convert_element_type3A_26, %convert_element_type3A_26 : vector<2000x256xbf16>
    %dot_general3A_31 = arith.constant dense<0.000000e+00> : vector<2000x1xf32>
    %dot_general3A_32 = tpu.matmul %mul3A, %broadcast_in_dim3A_28, %dot_general3A_31 {dimension_numbers = #tpu.dot_dimension_numbers<[1], [0], [0], [1], [0, 0, 1, 1], [], []>, transpose_lhs_hint = false} : vector<2000x256xbf16>, vector<256x1xbf16>, vector<2000x1xf32> -> vector<2000x1xf32>
    %mul3A_33 = arith.mulf %dot_general3A_30, %dot_general3A_30 : vector<2000x1xf32>
    %sub3A = arith.subf %dot_general3A_32, %mul3A_33 : vector<2000x1xf32>
    %sub3A_34 = vector.broadcast %dot_general3A_30 : vector<2000x1xf32> to vector<2000x256xf32>
    %sub3A_35 = arith.subf %add3A_25, %sub3A_34 : vector<2000x256xf32>
    %add3A_36 = arith.constant 9.99999974E-6 : f32
    %add3A_37 = vector.broadcast %add3A_36 : f32 to vector<2000x1xf32>
    %add3A_38 = arith.addf %sub3A, %add3A_37 : vector<2000x1xf32>
    %rsqrt3A = math.rsqrt %add3A_38 : vector<2000x1xf32>
    %mul3A_39 = vector.broadcast %rsqrt3A : vector<2000x1xf32> to vector<2000x256xf32>
    %mul3A_40 = arith.mulf %sub3A_35, %mul3A_39 : vector<2000x256xf32>
    %get3A_41 = arith.constant 0 : index
    %get3A_42 = vector.load %arg12[%get3A_41] : memref<256xf32, #tpu.memory_space<vmem>>, vector<256xf32>
    %broadcast_in_dim3A_43 = vector.shape_cast %get3A_42 : vector<256xf32> to vector<1x256xf32>
    %mul3A_44 = vector.broadcast %broadcast_in_dim3A_43 : vector<1x256xf32> to vector<2000x256xf32>
    %mul3A_45 = arith.mulf %mul3A_40, %mul3A_44 : vector<2000x256xf32>
    %get3A_46 = arith.constant 0 : index
    %get3A_47 = vector.load %arg13[%get3A_46] : memref<256xf32, #tpu.memory_space<vmem>>, vector<256xf32>
    %broadcast_in_dim3A_48 = vector.shape_cast %get3A_47 : vector<256xf32> to vector<1x256xf32>
    %add3A_49 = vector.broadcast %broadcast_in_dim3A_48 : vector<1x256xf32> to vector<2000x256xf32>
    %add3A_50 = arith.addf %mul3A_45, %add3A_49 : vector<2000x256xf32>
    %swap3A = arith.constant 0 : index
    %swap3A_51 = arith.constant 0 : index
    %swap3A_52 = vector.load %arg38[%swap3A, %swap3A_51] : memref<2000x256xf32, #tpu.memory_space<vmem>>, vector<2000x256xf32>
    tpu.vector_store %arg38[%swap3A, %swap3A_51], %add3A_50 {strides = array<i32>} : memref<2000x256xf32, #tpu.memory_space<vmem>>, vector<2000x256xf32>,
    %convert_element_type3A_53 = arith.truncf %add3A_50 : vector<2000x256xf32> to vector<2000x256xbf16>
    %broadcast_in_dim3A_54 = arith.constant 3.906250e-03 : bf16
    %broadcast_in_dim3A_55 = vector.broadcast %broadcast_in_dim3A_54 : bf16 to vector<256x1xbf16>
    %dot_general3A_56 = arith.constant dense<0.000000e+00> : vector<2000x1xf32>
    %dot_general3A_57 = tpu.matmul %convert_element_type3A_53, %broadcast_in_dim3A_55, %dot_general3A_56 {dimension_numbers = #tpu.dot_dimension_numbers<[1], [0], [0], [1], [0, 0, 1, 1], [], []>, transpose_lhs_hint = false} : vector<2000x256xbf16>, vector<256x1xbf16>, vector<2000x1xf32> -> vector<2000x1xf32>
    %mul3A_58 = arith.mulf %convert_element_type3A_53, %convert_element_type3A_53 : vector<2000x256xbf16>
    %dot_general3A_59 = arith.constant dense<0.000000e+00> : vector<2000x1xf32>
    %dot_general3A_60 = tpu.matmul %mul3A_58, %broadcast_in_dim3A_55, %dot_general3A_59 {dimension_numbers = #tpu.dot_dimension_numbers<[1], [0], [0], [1], [0, 0, 1, 1], [], []>, transpose_lhs_hint = false} : vector<2000x256xbf16>, vector<256x1xbf16>, vector<2000x1xf32> -> vector<2000x1xf32>
    %mul3A_61 = arith.mulf %dot_general3A_57, %dot_general3A_57 : vector<2000x1xf32>
    %sub3A_62 = arith.subf %dot_general3A_60, %mul3A_61 : vector<2000x1xf32>
    %sub3A_63 = vector.broadcast %dot_general3A_57 : vector<2000x1xf32> to vector<2000x256xf32>
    %sub3A_64 = arith.subf %add3A_50, %sub3A_63 : vector<2000x256xf32>
    %add3A_65 = arith.constant 9.99999974E-6 : f32
    %add3A_66 = vector.broadcast %add3A_65 : f32 to vector<2000x1xf32>
    %add3A_67 = arith.addf %sub3A_62, %add3A_66 : vector<2000x1xf32>
    %rsqrt3A_68 = math.rsqrt %add3A_67 : vector<2000x1xf32>
    %mul3A_69 = vector.broadcast %rsqrt3A_68 : vector<2000x1xf32> to vector<2000x256xf32>
    %mul3A_70 = arith.mulf %sub3A_64, %mul3A_69 : vector<2000x256xf32>
    %convert_element_type3A_71 = arith.truncf %add3A_50 : vector<2000x256xf32> to vector<2000x256xbf16>
    %convert_element_type3A_72 = arith.truncf %mul3A_70 : vector<2000x256xf32> to vector<2000x256xbf16>
    %get3A_73 = arith.constant 0 : index
    %get3A_74 = arith.constant 0 : index
    %get3A_75 = vector.load %arg43[%get3A_73, %get3A_74] : memref<256x768xbf16, #tpu.memory_space<vmem>>, vector<256x768xbf16>
    %dot_general3A_76 = arith.constant dense<0.000000e+00> : vector<2000x768xf32>
    %dot_general3A_77 = tpu.matmul %convert_element_type3A_72, %get3A_75, %dot_general3A_76 {dimension_numbers = #tpu.dot_dimension_numbers<[1], [0], [0], [1], [0, 0, 1, 1], [], []>, transpose_lhs_hint = false} : vector<2000x256xbf16>, vector<256x768xbf16>, vector<2000x768xf32> -> vector<2000x768xf32>
    %convert_element_type3A_78 = arith.truncf %dot_general3A_77 : vector<2000x768xf32> to vector<2000x768xbf16>
    %get3A_79 = arith.constant 0 : index
    %get3A_80 = arith.constant 0 : index
    %get3A_81 = vector.load %arg44[%get3A_79, %get3A_80] : memref<1x768xbf16, #tpu.memory_space<vmem>>, vector<1x768xbf16>
    %add3A_82 = vector.broadcast %get3A_81 : vector<1x768xbf16> to vector<2000x768xbf16>
    %add3A_83 = arith.addf %convert_element_type3A_78, %add3A_82 : vector<2000x768xbf16>
    %mul3A_84 = arith.constant 7.128900e-02 : bf16
    %mul3A_85 = vector.broadcast %mul3A_84 : bf16 to vector<2000x768xbf16>
    %mul3A_86 = arith.mulf %mul3A_85, %add3A_83 : vector<2000x768xbf16>
    %mul3A_87 = arith.mulf %mul3A_86, %add3A_83 : vector<2000x768xbf16>
    %add3A_88 = arith.constant 1.593750e+00 : bf16
    %add3A_89 = vector.broadcast %add3A_88 : bf16 to vector<2000x768xbf16>
    %add3A_90 = arith.addf %add3A_89, %mul3A_87 : vector<2000x768xbf16>
    %mul3A_91 = arith.mulf %add3A_83, %add3A_90 : vector<2000x768xbf16>
    %logistic3A = arith.negf %mul3A_91 : vector<2000x768xbf16>
    %logistic3A_92 = math.exp %logistic3A : vector<2000x768xbf16>
    %logistic3A_93 = arith.constant 1.000000e+00 : bf16
    %logistic3A_94 = vector.broadcast %logistic3A_93 : bf16 to vector<2000x768xbf16>
    %logistic3A_95 = arith.addf %logistic3A_94, %logistic3A_92 : vector<2000x768xbf16>
    %logistic3A_96 = arith.divf %logistic3A_94, %logistic3A_95 : vector<2000x768xbf16>
    %mul3A_97 = arith.mulf %add3A_83, %logistic3A_96 : vector<2000x768xbf16>
    %slice3A = vector.extract_strided_slice %mul3A_97 {offsets = [0, 0], sizes = [2000, 256], strides = [1, 1]} : vector<2000x768xbf16> to vector<2000x256xbf16>
    %get3A_98 = arith.constant 0 : index
    %get3A_99 = arith.constant 0 : index
    %get3A_100 = vector.load %arg45[%get3A_98, %get3A_99] : memref<256x768xbf16, #tpu.memory_space<vmem>>, vector<256x256xbf16>
    %dot_general3A_101 = arith.constant dense<0.000000e+00> : vector<2000x256xf32>
    %dot_general3A_102 = tpu.matmul %slice3A, %get3A_100, %dot_general3A_101 {dimension_numbers = #tpu.dot_dimension_numbers<[1], [0], [0], [1], [0, 0, 1, 1], [], []>, transpose_lhs_hint = false} : vector<2000x256xbf16>, vector<256x256xbf16>, vector<2000x256xf32> -> vector<2000x256xf32>
    %convert_element_type3A_103 = arith.truncf %dot_general3A_102 : vector<2000x256xf32> to vector<2000x256xbf16>
    %get3A_104 = arith.constant 0 : index
    %get3A_105 = arith.constant 0 : index
    %get3A_106 = vector.load %arg46[%get3A_104, %get3A_105] : memref<1x768xbf16, #tpu.memory_space<vmem>>, vector<1x256xbf16>
    %get3A_107 = vector.shape_cast %get3A_106 : vector<1x256xbf16> to vector<256xbf16>
    %broadcast_in_dim3A_108 = vector.shape_cast %get3A_107 : vector<256xbf16> to vector<1x256xbf16>
    %add3A_109 = vector.broadcast %broadcast_in_dim3A_108 : vector<1x256xbf16> to vector<2000x256xbf16>
    %add3A_110 = arith.addf %convert_element_type3A_103, %add3A_109 : vector<2000x256xbf16>
    %mul3A_111 = arith.constant 7.128900e-02 : bf16
    %mul3A_112 = vector.broadcast %mul3A_111 : bf16 to vector<2000x256xbf16>
    %mul3A_113 = arith.mulf %mul3A_112, %add3A_110 : vector<2000x256xbf16>
    %mul3A_114 = arith.mulf %mul3A_113, %add3A_110 : vector<2000x256xbf16>
    %add3A_115 = arith.constant 1.593750e+00 : bf16
    %add3A_116 = vector.broadcast %add3A_115 : bf16 to vector<2000x256xbf16>
    %add3A_117 = arith.addf %add3A_116, %mul3A_114 : vector<2000x256xbf16>
    %mul3A_118 = arith.mulf %add3A_110, %add3A_117 : vector<2000x256xbf16>
    %logistic3A_119 = arith.negf %mul3A_118 : vector<2000x256xbf16>
    %logistic3A_120 = math.exp %logistic3A_119 : vector<2000x256xbf16>
    %logistic3A_121 = arith.constant 1.000000e+00 : bf16
    %logistic3A_122 = vector.broadcast %logistic3A_121 : bf16 to vector<2000x256xbf16>
    %logistic3A_123 = arith.addf %logistic3A_122, %logistic3A_120 : vector<2000x256xbf16>
    %logistic3A_124 = arith.divf %logistic3A_122, %logistic3A_123 : vector<2000x256xbf16>
    %mul3A_125 = arith.mulf %add3A_110, %logistic3A_124 : vector<2000x256xbf16>
    %add3A_126 = arith.addf %convert_element_type3A_71, %mul3A_125 : vector<2000x256xbf16>
    %get3A_127 = arith.constant 0 : index
    %get3A_128 = arith.constant 0 : index
    %get3A_129 = vector.load %arg47[%get3A_127, %get3A_128] : memref<256x384xbf16, #tpu.memory_space<vmem>>, vector<256x1xbf16>
    %dot_general3A_130 = arith.constant dense<0.000000e+00> : vector<2000x1xf32>
    %dot_general3A_131 = tpu.matmul %add3A_126, %get3A_129, %dot_general3A_130 {dimension_numbers = #tpu.dot_dimension_numbers<[1], [0], [0], [1], [0, 0, 1, 1], [], []>, transpose_lhs_hint = false} : vector<2000x256xbf16>, vector<256x1xbf16>, vector<2000x1xf32> -> vector<2000x1xf32>
    %get3A_132 = arith.constant 0 : index
    %get3A_133 = vector.load %arg21[%get3A_132] : memref<1xf32, #tpu.memory_space<vmem>>, vector<1xf32>
    %get3A_134 = vector.shape_cast %get3A_133 : vector<1xf32> to vector<1xf32>
    %broadcast_in_dim3A_135 = vector.shape_cast %get3A_134 : vector<1xf32> to vector<1x1xf32>
    %add3A_136 = vector.broadcast %broadcast_in_dim3A_135 : vector<1x1xf32> to vector<2000x1xf32>
    %add3A_137 = arith.addf %dot_general3A_131, %add3A_136 : vector<2000x1xf32>
    %logistic3A_138 = arith.negf %add3A_137 : vector<2000x1xf32>
    %logistic3A_139 = math.exp %logistic3A_138 : vector<2000x1xf32>
    %logistic3A_140 = arith.constant 1.000000e+00 : f32
    %logistic3A_141 = vector.broadcast %logistic3A_140 : f32 to vector<2000x1xf32>
    %logistic3A_142 = arith.addf %logistic3A_141, %logistic3A_139 : vector<2000x1xf32>
    %logistic3A_143 = arith.divf %logistic3A_141, %logistic3A_142 : vector<2000x1xf32>
    %get3A_144 = arith.constant 0 : index
    %get3A_145 = arith.constant 0 : index
    %get3A_146 = vector.load %arg6[%get3A_144, %get3A_145] : memref<2000x1xf32, #tpu.memory_space<vmem>>, vector<2000x1xf32>
    %mul3A_147 = arith.mulf %logistic3A_143, %get3A_146 : vector<2000x1xf32>
    %swap3A_148 = arith.constant 0 : index
    %swap3A_149 = arith.constant 0 : index
    %swap3A_150 = vector.load %arg39[%swap3A_148, %swap3A_149] : memref<2000x1xf32, #tpu.memory_space<vmem>>, vector<2000x1xf32>
    tpu.vector_store %arg39[%swap3A_148, %swap3A_149], %mul3A_147 {strides = array<i32>} : memref<2000x1xf32, #tpu.memory_space<vmem>>, vector<2000x1xf32>,
    %slice3A_151 = vector.extract_strided_slice %mul3A_97 {offsets = [0, 256], sizes = [2000, 256], strides = [1, 1]} : vector<2000x768xbf16> to vector<2000x256xbf16>
    %get3A_152 = arith.constant 0 : index
    %get3A_153 = arith.constant 256 : index
    %get3A_154 = vector.load %arg45[%get3A_152, %get3A_153] : memref<256x768xbf16, #tpu.memory_space<vmem>>, vector<256x256xbf16>
    %dot_general3A_155 = arith.constant dense<0.000000e+00> : vector<2000x256xf32>
    %dot_general3A_156 = tpu.matmul %slice3A_151, %get3A_154, %dot_general3A_155 {dimension_numbers = #tpu.dot_dimension_numbers<[1], [0], [0], [1], [0, 0, 1, 1], [], []>, transpose_lhs_hint = false} : vector<2000x256xbf16>, vector<256x256xbf16>, vector<2000x256xf32> -> vector<2000x256xf32>
    %convert_element_type3A_157 = arith.truncf %dot_general3A_156 : vector<2000x256xf32> to vector<2000x256xbf16>
    %get3A_158 = arith.constant 0 : index
    %get3A_159 = arith.constant 256 : index
    %get3A_160 = vector.load %arg46[%get3A_158, %get3A_159] : memref<1x768xbf16, #tpu.memory_space<vmem>>, vector<1x256xbf16>
    %get3A_161 = vector.shape_cast %get3A_160 : vector<1x256xbf16> to vector<256xbf16>
    %broadcast_in_dim3A_162 = vector.shape_cast %get3A_161 : vector<256xbf16> to vector<1x256xbf16>
    %add3A_163 = vector.broadcast %broadcast_in_dim3A_162 : vector<1x256xbf16> to vector<2000x256xbf16>
    %add3A_164 = arith.addf %convert_element_type3A_157, %add3A_163 : vector<2000x256xbf16>
    %mul3A_165 = arith.constant 7.128900e-02 : bf16
    %mul3A_166 = vector.broadcast %mul3A_165 : bf16 to vector<2000x256xbf16>
    %mul3A_167 = arith.mulf %mul3A_166, %add3A_164 : vector<2000x256xbf16>
    %mul3A_168 = arith.mulf %mul3A_167, %add3A_164 : vector<2000x256xbf16>
    %add3A_169 = arith.constant 1.593750e+00 : bf16
    %add3A_170 = vector.broadcast %add3A_169 : bf16 to vector<2000x256xbf16>
    %add3A_171 = arith.addf %add3A_170, %mul3A_168 : vector<2000x256xbf16>
    %mul3A_172 = arith.mulf %add3A_164, %add3A_171 : vector<2000x256xbf16>
    %logistic3A_173 = arith.negf %mul3A_172 : vector<2000x256xbf16>
    %logistic3A_174 = math.exp %logistic3A_173 : vector<2000x256xbf16>
    %logistic3A_175 = arith.constant 1.000000e+00 : bf16
    %logistic3A_176 = vector.broadcast %logistic3A_175 : bf16 to vector<2000x256xbf16>
    %logistic3A_177 = arith.addf %logistic3A_176, %logistic3A_174 : vector<2000x256xbf16>
    %logistic3A_178 = arith.divf %logistic3A_176, %logistic3A_177 : vector<2000x256xbf16>
    %mul3A_179 = arith.mulf %add3A_164, %logistic3A_178 : vector<2000x256xbf16>
    %add3A_180 = arith.addf %convert_element_type3A_71, %mul3A_179 : vector<2000x256xbf16>
    %get3A_181 = arith.constant 0 : index
    %get3A_182 = arith.constant 128 : index
    %get3A_183 = vector.load %arg47[%get3A_181, %get3A_182] : memref<256x384xbf16, #tpu.memory_space<vmem>>, vector<256x11xbf16>
    %dot_general3A_184 = arith.constant dense<0.000000e+00> : vector<2000x11xf32>
    %dot_general3A_185 = tpu.matmul %add3A_180, %get3A_183, %dot_general3A_184 {dimension_numbers = #tpu.dot_dimension_numbers<[1], [0], [0], [1], [0, 0, 1, 1], [], []>, transpose_lhs_hint = false} : vector<2000x256xbf16>, vector<256x11xbf16>, vector<2000x11xf32> -> vector<2000x11xf32>
    %get3A_186 = arith.constant 0 : index
    %get3A_187 = vector.load %arg29[%get3A_186] : memref<11xf32, #tpu.memory_space<vmem>>, vector<11xf32>
    %get3A_188 = vector.shape_cast %get3A_187 : vector<11xf32> to vector<11xf32>
    %broadcast_in_dim3A_189 = vector.shape_cast %get3A_188 : vector<11xf32> to vector<1x11xf32>
    %add3A_190 = vector.broadcast %broadcast_in_dim3A_189 : vector<1x11xf32> to vector<2000x11xf32>
    %add3A_191 = arith.addf %dot_general3A_185, %add3A_190 : vector<2000x11xf32>
    %iota3A = tpu.iota {dimensions = array<i32: 1>} : vector<2000x11xi32>
    %get3A_192 = arith.constant 0 : index
    %get3A_193 = arith.constant 0 : index
    %get3A_194 = vector.load %arg9[%get3A_192, %get3A_193] : memref<2000x1xi32, #tpu.memory_space<vmem>>, vector<2000x1xi32>
    %lt3A = vector.broadcast %get3A_194 : vector<2000x1xi32> to vector<2000x11xi32>
    %lt3A_195 = arith.cmpi slt, %iota3A, %lt3A : vector<2000x11xi32>
    %get3A_196 = arith.constant 0 : index
    %get3A_197 = arith.constant 0 : index
    %get3A_198 = vector.load %arg7[%get3A_196, %get3A_197] : memref<2000x1xf32, #tpu.memory_space<vmem>>, vector<2000x1xf32>
    %jit3A_199 = arith.constant -1.000000e+09 : f32
    %broadcast_in_dim3A_200 = vector.broadcast %jit3A_199 : f32 to vector<2000x11xf32>
    %select_n3A_201 = arith.select %lt3A_195, %add3A_191, %broadcast_in_dim3A_200 : vector<2000x11xi1>, vector<2000x11xf32>
    %mul3A_202 = vector.broadcast %get3A_198 : vector<2000x1xf32> to vector<2000x11xf32>
    %mul3A_203 = arith.mulf %mul3A_202, %select_n3A_201 : vector<2000x11xf32>
    %swap3A_204 = arith.constant 0 : index
    %swap3A_205 = arith.constant 0 : index
    %swap3A_206 = vector.load %arg40[%swap3A_204, %swap3A_205] : memref<2000x11xf32, #tpu.memory_space<vmem>>, vector<2000x11xf32>
    tpu.vector_store %arg40[%swap3A_204, %swap3A_205], %mul3A_203 {strides = array<i32>} : memref<2000x11xf32, #tpu.memory_space<vmem>>, vector<2000x11xf32>,
    %slice3A_207 = vector.extract_strided_slice %mul3A_97 {offsets = [0, 512], sizes = [2000, 256], strides = [1, 1]} : vector<2000x768xbf16> to vector<2000x256xbf16>
    %get3A_208 = arith.constant 0 : index
    %get3A_209 = arith.constant 512 : index
    %get3A_210 = vector.load %arg45[%get3A_208, %get3A_209] : memref<256x768xbf16, #tpu.memory_space<vmem>>, vector<256x256xbf16>
    %dot_general3A_211 = arith.constant dense<0.000000e+00> : vector<2000x256xf32>
    %dot_general3A_212 = tpu.matmul %slice3A_207, %get3A_210, %dot_general3A_211 {dimension_numbers = #tpu.dot_dimension_numbers<[1], [0], [0], [1], [0, 0, 1, 1], [], []>, transpose_lhs_hint = false} : vector<2000x256xbf16>, vector<256x256xbf16>, vector<2000x256xf32> -> vector<2000x256xf32>
    %convert_element_type3A_213 = arith.truncf %dot_general3A_212 : vector<2000x256xf32> to vector<2000x256xbf16>
    %get3A_214 = arith.constant 0 : index
    %get3A_215 = arith.constant 512 : index
    %get3A_216 = vector.load %arg46[%get3A_214, %get3A_215] : memref<1x768xbf16, #tpu.memory_space<vmem>>, vector<1x256xbf16>
    %get3A_217 = vector.shape_cast %get3A_216 : vector<1x256xbf16> to vector<256xbf16>
    %broadcast_in_dim3A_218 = vector.shape_cast %get3A_217 : vector<256xbf16> to vector<1x256xbf16>
    %add3A_219 = vector.broadcast %broadcast_in_dim3A_218 : vector<1x256xbf16> to vector<2000x256xbf16>
    %add3A_220 = arith.addf %convert_element_type3A_213, %add3A_219 : vector<2000x256xbf16>
    %mul3A_221 = arith.constant 7.128900e-02 : bf16
    %mul3A_222 = vector.broadcast %mul3A_221 : bf16 to vector<2000x256xbf16>
    %mul3A_223 = arith.mulf %mul3A_222, %add3A_220 : vector<2000x256xbf16>
    %mul3A_224 = arith.mulf %mul3A_223, %add3A_220 : vector<2000x256xbf16>
    %add3A_225 = arith.constant 1.593750e+00 : bf16
    %add3A_226 = vector.broadcast %add3A_225 : bf16 to vector<2000x256xbf16>
    %add3A_227 = arith.addf %add3A_226, %mul3A_224 : vector<2000x256xbf16>
    %mul3A_228 = arith.mulf %add3A_220, %add3A_227 : vector<2000x256xbf16>
    %logistic3A_229 = arith.negf %mul3A_228 : vector<2000x256xbf16>
    %logistic3A_230 = math.exp %logistic3A_229 : vector<2000x256xbf16>
    %logistic3A_231 = arith.constant 1.000000e+00 : bf16
    %logistic3A_232 = vector.broadcast %logistic3A_231 : bf16 to vector<2000x256xbf16>
    %logistic3A_233 = arith.addf %logistic3A_232, %logistic3A_230 : vector<2000x256xbf16>
    %logistic3A_234 = arith.divf %logistic3A_232, %logistic3A_233 : vector<2000x256xbf16>
    %mul3A_235 = arith.mulf %add3A_220, %logistic3A_234 : vector<2000x256xbf16>
    %add3A_236 = arith.addf %convert_element_type3A_71, %mul3A_235 : vector<2000x256xbf16>
    %get3A_237 = arith.constant 0 : index
    %get3A_238 = arith.constant 256 : index
    %get3A_239 = vector.load %arg47[%get3A_237, %get3A_238] : memref<256x384xbf16, #tpu.memory_space<vmem>>, vector<256x1xbf16>
    %dot_general3A_240 = arith.constant dense<0.000000e+00> : vector<2000x1xf32>
    %dot_general3A_241 = tpu.matmul %add3A_236, %get3A_239, %dot_general3A_240 {dimension_numbers = #tpu.dot_dimension_numbers<[1], [0], [0], [1], [0, 0, 1, 1], [], []>, transpose_lhs_hint = false} : vector<2000x256xbf16>, vector<256x1xbf16>, vector<2000x1xf32> -> vector<2000x1xf32>
    %get3A_242 = arith.constant 0 : index
    %get3A_243 = vector.load %arg37[%get3A_242] : memref<1xf32, #tpu.memory_space<vmem>>, vector<1xf32>
    %get3A_244 = vector.shape_cast %get3A_243 : vector<1xf32> to vector<1xf32>
    %broadcast_in_dim3A_245 = vector.shape_cast %get3A_244 : vector<1xf32> to vector<1x1xf32>
    %add3A_246 = vector.broadcast %broadcast_in_dim3A_245 : vector<1x1xf32> to vector<2000x1xf32>
    %add3A_247 = arith.addf %dot_general3A_241, %add3A_246 : vector<2000x1xf32>
    %get3A_248 = arith.constant 0 : index
    %get3A_249 = arith.constant 0 : index
    %get3A_250 = vector.load %arg8[%get3A_248, %get3A_249] : memref<2000x1xf32, #tpu.memory_space<vmem>>, vector<2000x1xf32>
    %mul3A_251 = arith.mulf %add3A_247, %get3A_250 : vector<2000x1xf32>
    %swap3A_252 = arith.constant 0 : index
    %swap3A_253 = arith.constant 0 : index
    %swap3A_254 = vector.load %arg41[%swap3A_252, %swap3A_253] : memref<2000x1xf32, #tpu.memory_space<vmem>>, vector<2000x1xf32>
    tpu.vector_store %arg41[%swap3A_252, %swap3A_253], %mul3A_251 {strides = array<i32>} : memref<2000x1xf32, #tpu.memory_space<vmem>>, vector<2000x1xf32>,
    return
  }
  func.func @transform_0(%arg0: i32) -> (i32, i32) {
    %c0_i32 = arith.constant 0 : i32
    %c0_i32_0 = arith.constant 0 : i32
    %c0_i32_1 = arith.constant 0 : i32
    return %c0_i32, %c0_i32_0 : i32, i32
  }
  func.func @transform_1(%arg0: i32) -> (i32, i32) {
    %c0_i32 = arith.constant 0 : i32
    %c0_i32_0 = arith.constant 0 : i32
    return %arg0, %c0_i32 : i32, i32
  }
  func.func @transform_2(%arg0: i32) -> (i32, i32) {
    %c0_i32 = arith.constant 0 : i32
    %c0_i32_0 = arith.constant 0 : i32
    return %arg0, %c0_i32 : i32, i32
  }
  func.func @transform_3(%arg0: i32) -> (i32, i32) {
    %c0_i32 = arith.constant 0 : i32
    %c0_i32_0 = arith.constant 0 : i32
    %c0_i32_1 = arith.constant 0 : i32
    return %c0_i32, %c0_i32_0 : i32, i32
  }
  func.func @transform_4(%arg0: i32) -> (i32, i32) {
    %c0_i32 = arith.constant 0 : i32
    %c0_i32_0 = arith.constant 0 : i32
    return %arg0, %c0_i32 : i32, i32
  }
  func.func @transform_5(%arg0: i32) -> (i32, i32) {
    %c0_i32 = arith.constant 0 : i32
    %c0_i32_0 = arith.constant 0 : i32
    return %arg0, %c0_i32 : i32, i32
  }
  func.func @transform_6(%arg0: i32) -> (i32, i32) {
    %c0_i32 = arith.constant 0 : i32
    %c0_i32_0 = arith.constant 0 : i32
    return %arg0, %c0_i32 : i32, i32
  }
  func.func @transform_7(%arg0: i32) -> (i32, i32) {
    %c0_i32 = arith.constant 0 : i32
    %c0_i32_0 = arith.constant 0 : i32
    return %arg0, %c0_i32 : i32, i32
  }
  func.func @transform_8(%arg0: i32) -> (i32, i32) {
    %c0_i32 = arith.constant 0 : i32
    %c0_i32_0 = arith.constant 0 : i32
    return %arg0, %c0_i32 : i32, i32
  }
  func.func @transform_9(%arg0: i32) -> (i32, i32) {
    %c0_i32 = arith.constant 0 : i32
    %c0_i32_0 = arith.constant 0 : i32
    %c0_i32_1 = arith.constant 0 : i32
    return %c0_i32, %c0_i32_0 : i32, i32
  }
  func.func @transform_10(%arg0: i32) -> i32 {
    %c0_i32 = arith.constant 0 : i32
    %c0_i32_0 = arith.constant 0 : i32
    return %c0_i32 : i32
  }
  func.func @transform_11(%arg0: i32) -> i32 {
    %c0_i32 = arith.constant 0 : i32
    %c0_i32_0 = arith.constant 0 : i32
    return %c0_i32 : i32
  }
  func.func @transform_12(%arg0: i32) -> i32 {
    %c0_i32 = arith.constant 0 : i32
    %c0_i32_0 = arith.constant 0 : i32
    return %c0_i32 : i32
  }
  func.func @transform_13(%arg0: i32) -> i32 {
    %c0_i32 = arith.constant 0 : i32
    %c0_i32_0 = arith.constant 0 : i32
    return %c0_i32 : i32
  }
  func.func @transform_14(%arg0: i32) -> i32 {
    %c0_i32 = arith.constant 0 : i32
    %c0_i32_0 = arith.constant 0 : i32
    return %c0_i32 : i32
  }
  func.func @transform_15(%arg0: i32) -> (i32, i32) {
    %c0_i32 = arith.constant 0 : i32
    %c0_i32_0 = arith.constant 0 : i32
    %c0_i32_1 = arith.constant 0 : i32
    return %c0_i32, %c0_i32_0 : i32, i32
  }
  func.func @transform_16(%arg0: i32) -> i32 {
    %c0_i32 = arith.constant 0 : i32
    %c0_i32_0 = arith.constant 0 : i32
    return %c0_i32 : i32
  }
  func.func @transform_17(%arg0: i32) -> (i32, i32) {
    %c0_i32 = arith.constant 0 : i32
    %c0_i32_0 = arith.constant 0 : i32
    %c0_i32_1 = arith.constant 0 : i32
    return %c0_i32, %c0_i32_0 : i32, i32
  }
  func.func @transform_18(%arg0: i32) -> i32 {
    %c0_i32 = arith.constant 0 : i32
    %c0_i32_0 = arith.constant 0 : i32
    return %c0_i32 : i32
  }
  func.func @transform_19(%arg0: i32) -> (i32, i32) {
    %c0_i32 = arith.constant 0 : i32
    %c0_i32_0 = arith.constant 0 : i32
    %c0_i32_1 = arith.constant 0 : i32
    return %c0_i32, %c0_i32_0 : i32, i32
  }
  func.func @transform_20(%arg0: i32) -> i32 {
    %c0_i32 = arith.constant 0 : i32
    %c0_i32_0 = arith.constant 0 : i32
    return %c0_i32 : i32
  }
  func.func @transform_21(%arg0: i32) -> i32 {
    %c0_i32 = arith.constant 0 : i32
    %c0_i32_0 = arith.constant 0 : i32
    return %c0_i32 : i32
  }
  func.func @transform_22(%arg0: i32) -> i32 {
    %c0_i32 = arith.constant 0 : i32
    %c0_i32_0 = arith.constant 0 : i32
    return %c0_i32 : i32
  }
  func.func @transform_23(%arg0: i32) -> (i32, i32) {
    %c0_i32 = arith.constant 0 : i32
    %c0_i32_0 = arith.constant 0 : i32
    %c0_i32_1 = arith.constant 0 : i32
    return %c0_i32, %c0_i32_0 : i32, i32
  }
  func.func @transform_24(%arg0: i32) -> i32 {
    %c0_i32 = arith.constant 0 : i32
    %c0_i32_0 = arith.constant 0 : i32
    return %c0_i32 : i32
  }
  func.func @transform_25(%arg0: i32) -> (i32, i32) {
    %c0_i32 = arith.constant 0 : i32
    %c0_i32_0 = arith.constant 0 : i32
    %c0_i32_1 = arith.constant 0 : i32
    return %c0_i32, %c0_i32_0 : i32, i32
  }
  func.func @transform_26(%arg0: i32) -> i32 {
    %c0_i32 = arith.constant 0 : i32
    %c0_i32_0 = arith.constant 0 : i32
    return %c0_i32 : i32
  }
  func.func @transform_27(%arg0: i32) -> (i32, i32) {
    %c0_i32 = arith.constant 0 : i32
    %c0_i32_0 = arith.constant 0 : i32
    %c0_i32_1 = arith.constant 0 : i32
    return %c0_i32, %c0_i32_0 : i32, i32
  }
  func.func @transform_28(%arg0: i32) -> i32 {
    %c0_i32 = arith.constant 0 : i32
    %c0_i32_0 = arith.constant 0 : i32
    return %c0_i32 : i32
  }
  func.func @transform_29(%arg0: i32) -> i32 {
    %c0_i32 = arith.constant 0 : i32
    %c0_i32_0 = arith.constant 0 : i32
    return %c0_i32 : i32
  }
  func.func @transform_30(%arg0: i32) -> i32 {
    %c0_i32 = arith.constant 0 : i32
    %c0_i32_0 = arith.constant 0 : i32
    return %c0_i32 : i32
  }
  func.func @transform_31(%arg0: i32) -> (i32, i32) {
    %c0_i32 = arith.constant 0 : i32
    %c0_i32_0 = arith.constant 0 : i32
    %c0_i32_1 = arith.constant 0 : i32
    return %c0_i32, %c0_i32_0 : i32, i32
  }
  func.func @transform_32(%arg0: i32) -> i32 {
    %c0_i32 = arith.constant 0 : i32
    %c0_i32_0 = arith.constant 0 : i32
    return %c0_i32 : i32
  }
  func.func @transform_33(%arg0: i32) -> (i32, i32) {
    %c0_i32 = arith.constant 0 : i32
    %c0_i32_0 = arith.constant 0 : i32
    %c0_i32_1 = arith.constant 0 : i32
    return %c0_i32, %c0_i32_0 : i32, i32
  }
  func.func @transform_34(%arg0: i32) -> i32 {
    %c0_i32 = arith.constant 0 : i32
    %c0_i32_0 = arith.constant 0 : i32
    return %c0_i32 : i32
  }
  func.func @transform_35(%arg0: i32) -> (i32, i32) {
    %c0_i32 = arith.constant 0 : i32
    %c0_i32_0 = arith.constant 0 : i32
    %c0_i32_1 = arith.constant 0 : i32
    return %c0_i32, %c0_i32_0 : i32, i32
  }
  func.func @transform_36(%arg0: i32) -> i32 {
    %c0_i32 = arith.constant 0 : i32
    %c0_i32_0 = arith.constant 0 : i32
    return %c0_i32 : i32
  }
  func.func @transform_37(%arg0: i32) -> (i32, i32) {
    %c0_i32 = arith.constant 0 : i32
    %c0_i32_0 = arith.constant 0 : i32
    return %arg0, %c0_i32 : i32, i32
  }
  func.func @transform_38(%arg0: i32) -> (i32, i32) {
    %c0_i32 = arith.constant 0 : i32
    %c0_i32_0 = arith.constant 0 : i32
    return %arg0, %c0_i32 : i32, i32
  }
  func.func @transform_39(%arg0: i32) -> (i32, i32) {
    %c0_i32 = arith.constant 0 : i32
    %c0_i32_0 = arith.constant 0 : i32
    return %arg0, %c0_i32 : i32, i32
  }
  func.func @transform_40(%arg0: i32) -> (i32, i32) {
    %c0_i32 = arith.constant 0 : i32
    %c0_i32_0 = arith.constant 0 : i32
    return %arg0, %c0_i32 : i32, i32
  }
}

</mosaic_0001>

<sc_bundles>
// kernel: kernel.4.cloned.1.call-start
scs
__scs_entry_jumppad:
0x0: {  	(pc) =	sbr.rel $0x88, $3  }
0x1: {  	(tag) =	ssettag $0x0;
	lr =	simm.s32 $0x1  }
0x2: {  	[smem:$0x3F7F] =	sst lr;
	_ =	strace $0xD0000000  }
0x3: {  	_ = 	snop  }
0x4: {  	_ = 	snop  }
0x5: {  	_ = 	snop  }
0x6: {  	_ = 	snop  }
0x7: {  	_ = 	snop  }
__scs_overlays_trampoline_lowered:
0x8: {  	[smem:$0x3F8E] =	sst s0  }
0x9: {  	[smem:$0x3F8F] =	sst s1  }
0xa: {  	[smem:$0x3F90] =	sst s2  }
0xb: {  	[smem:$0x3F91] =	sst s3  }
0xc: {  	[smem:$0x3F92] =	sst s4  }
0xd: {  	[smem:$0x3F93] =	sst s5  }
0xe: {  	[smem:$0x3F94] =	sst s6  }
0xf: {  	[smem:$0x3F95] =	sst s7  }
0x10: {  	[smem:$0x3F96] =	sst s8  }
0x11: {  	[smem:$0x3F97] =	sst s9;
	s0 =	simm.s32 @!p0 $0x0  }
0x12: {  	s1 =	sld [smem:$0x3F7D];
	s0 =	simm.s32 @p0 $0x1  }
0x13: {  	[smem:$0x3F98] =	sst s0;
	s0 =	simm.s32 @!p1 $0x0  }
0x14: {  	s2 =	sld [smem:$0x3F7C];
	s0 =	simm.s32 @p1 $0x1  }
0x15: {  	[smem:$0x3F99] =	sst s0;
	s0 =	simm.s32 @!p2 $0x0  }
0x16: {  	s3 =	sld [smem:$0x3FDB];
	s0 =	simm.s32 @p2 $0x1  }
0x17: {  	s4 =	simm.s32 $0x1BF5;
	[smem:$0x3F9B] =	sst s0  }
0x18: {  	s0 =	sld [smem:$0x3F7E];
	_ =	swait.ge [sflag:s4], $0x0  }
0x19: {  	s7 =	sld [smem:$0x3F7F]  }
0x1a: {  	s8 =	sadd.s32 $0xFFFFE003, lr  }
0x1b: {  	s9 =	sadd.s32 $0xFFFFFEF7, lr;
	s5 =	simm.s32 $0xFFFFFFFF;
	p2 =	slt.u32 s8, $0xFFFFF086  }
0x1c: {  	p1 =	slt.u32 s9, $0xF7A;
	s5 =	simm.s32 @!p2 $0x0  }
0x1d: {  	s5 =	simm.s32 @p1 $0x1;
	p0 =	seq.s32 s7, s2  }
0x1e: {  	s7 =	smul.u32 @!p0 $0xF7A, s2;
	p2 =	seq.s32 @!p0 s5, $0x0  }
0x1f: {  	s9 =	smul.u32 $0xF7A, s1;
	s8 =	simm.s32 @!p0 $0x1BF5;
	p2 =	por !p2, p0  }
0x20: {  	[sflag:s8] =	ssyncset.s32 @!p0 $0xFFFFF086;
	s6 =	sadd.s32 @!p0 s3, s7;
	s7 =	simm.s32 @!p0 $0x108  }
0x21: {  	s3 =	sadd.s32 s3, s9;
	s6 =	sadd.s32 @!p0 $0x88, s6;
	s7 =	simm.s32 @p2 $0x1082  }
0x22: {  	[simem:s7], [sflag:s8] =	dma.local @!p0 [hbm:s6], $0xF7A  }
0x23: {  	s9 =	sor.u32 $0xD0000000, s2;
	s6 =	simm.s32 $0x108;
	_ =	swait.ge @!p0 [sflag:s8], $0x0  }
0x24: {  	s3 =	sadd.s32 $0x88, s3;
	s6 =	simm.s32 @!p1 $0x1082;
	[sflag:s4] =	ssyncset.s32 $0xFFFFF086  }
0x25: {  	[simem:s6], [sflag:s4] =	dma.local [hbm:s3], $0xF7A  }
0x26: {  	[smem:$0x3F7F] =	sst s1;
	(tag) =	ssettag s2;
	_ =	strace s9  }
0x27: {  	s1 =	sld [smem:$0x3F8F]  }
0x28: {  	s2 =	sld [smem:$0x3F90]  }
0x29: {  	s4 =	sld [smem:$0x3F92]  }
0x2a: {  	p0 =	seq.s32 s5, $0x0;
	s5 =	sld [smem:$0x3F93]  }
0x2b: {  	s6 =	sld [smem:$0x3F94]  }
0x2c: {  	s7 =	sld [smem:$0x3F95]  }
0x2d: {  	s3 =	simm.s32 $0x108;
	s8 =	sld [smem:$0x3F96]  }
0x2e: {  	s3 =	simm.s32 @!p0 $0x1082;
	s9 =	sld [smem:$0x3F97]  }
0x2f: {  	lr =	sadd.s32 s0, s3;
	s0 =	sld [smem:$0x3F8E]  }
0x30: {  	s3 =	sld [smem:$0x3F91]  }
0x31: {  	[smem:$0x3F9A] =	sst s10  }
0x32: {  	s10 =	sld [smem:$0x3F98];
	_ =	sdelay $0x3  }
0x33: {  	p0 =	seq.s32 s10, $0x1;
	s10 =	sld [smem:$0x3F9A];
	_ =	sdelay $0x3  }
0x34: {  	[smem:$0x3F9A] =	sst s10  }
0x35: {  	s10 =	sld [smem:$0x3F99];
	_ =	sdelay $0x3  }
0x36: {  	p1 =	seq.s32 s10, $0x1;
	s10 =	sld [smem:$0x3F9A];
	_ =	sdelay $0x3  }
0x37: {  	[smem:$0x3F9A] =	sst s10  }
0x38: {  	s10 =	sld [smem:$0x3F9B]  }
0x39: {  	_ = 	snop;
	(pc) =	sbr.ind lr, $3  }
0x3a: {  	_ = 	snop  }
0x3b: {  	_ = 	snop  }
0x3c: {  	p2 =	seq.s32 s10, $0x1;
	s10 =	sld [smem:$0x3F9A]  }
0x3d: {  	_ =	shalt  }
0x3e: {  	_ =	shalt  }
0x3f: {  	_ =	shalt  }
0x40: {  	_ =	shalt  }
0x41: {  	_ =	shalt  }
0x42: {  	_ =	shalt  }
0x43: {  	_ =	shalt  }
0x44: {  	_ =	shalt  }
0x45: {  	_ =	shalt  }
0x46: {  	_ =	shalt  }
0x47: {  	_ =	shalt  }
0x48: {  	_ =	shalt  }
0x49: {  	_ =	shalt  }
0x4a: {  	_ =	shalt  }
0x4b: {  	_ =	shalt  }
0x4c: {  	_ =	shalt  }
0x4d: {  	_ =	shalt  }
0x4e: {  	_ =	shalt  }
0x4f: {  	_ =	shalt  }
0x50: {  	_ =	shalt  }
0x51: {  	_ =	shalt  }
0x52: {  	_ =	shalt  }
0x53: {  	_ =	shalt  }
0x54: {  	_ =	shalt  }
0x55: {  	_ =	shalt  }
0x56: {  	_ =	shalt  }
0x57: {  	_ =	shalt  }
0x58: {  	_ =	shalt  }
0x59: {  	_ =	shalt  }
0x5a: {  	_ =	shalt  }
0x5b: {  	_ =	shalt  }
0x5c: {  	_ =	shalt  }
0x5d: {  	_ =	shalt  }
0x5e: {  	_ =	shalt  }
0x5f: {  	_ =	shalt  }
0x60: {  	_ =	shalt  }
0x61: {  	_ =	shalt  }
0x62: {  	_ =	shalt  }
0x63: {  	_ =	shalt  }
0x64: {  	_ =	shalt  }
0x65: {  	_ =	shalt  }
0x66: {  	_ =	shalt  }
0x67: {  	_ =	shalt  }
0x68: {  	_ =	shalt  }
0x69: {  	_ =	shalt  }
0x6a: {  	_ =	shalt  }
0x6b: {  	_ =	shalt  }
0x6c: {  	_ =	shalt  }
0x6d: {  	_ =	shalt  }
0x6e: {  	_ =	shalt  }
0x6f: {  	_ =	shalt  }
0x70: {  	_ =	shalt  }
0x71: {  	_ =	shalt  }
0x72: {  	_ =	shalt  }
0x73: {  	_ =	shalt  }
0x74: {  	_ =	shalt  }
0x75: {  	_ =	shalt  }
0x76: {  	_ =	shalt  }
0x77: {  	_ =	shalt  }
0x78: {  	_ =	shalt  }
0x79: {  	_ =	shalt  }
0x7a: {  	_ =	shalt  }
0x7b: {  	_ =	shalt  }
0x7c: {  	_ =	shalt  }
0x7d: {  	_ =	shalt  }
0x7e: {  	_ =	shalt  }
0x7f: {  	_ =	shalt  }
0x80: {  	_ =	shalt  }
0x81: {  	_ =	shalt  }
0x82: {  	_ =	shalt  }
0x83: {  	_ =	shalt  }
0x84: {  	_ =	shalt  }
0x85: {  	_ =	shalt  }
0x86: {  	_ =	shalt  }
0x87: {  	_ =	shalt  }
.Lfunc_end0:
.L_simem_size_0:
called_computation_lowered:
.L_overlay_start_0:
0x88: {  	s2 =	sld [smem:$0x3FD9]  }
0x89: {  	s3 =	sld [smem:$0x3FFE];
	_ =	sdelay $0x1  }
0x8a: {  	s1 =	srdreg.scid  }
0x8b: {  	s0 =	sand.u32 $0x1, s1  }
0x8c: {  	s14 =	sshll.u32 s0, $0xA;
	s2 =	sadd.s32 s3, s2  }
0x8d: {  	s2 =	sadd.s32 s2, s14  }
0x8e: {  	[smem:$0x3FA6] =	sst s2  }
0x8f: {  	_ = 	snop  }
0x90: {  	s2 =	sld [smem:$0x3FD0];
	_ =	sdelay $0x2  }
0x91: {  	s4 =	simm.s32 $0xA;
	s5 =	simm.s32 $0x10;
	s15 =	sld [smem:$0x3FC7]  }
0x92: {  	[smem:s5], [sflag:s4] =	dma.local [hbm:s2], $0x1  }
0x93: {  	_ =	swait.eq [sflag:s4], $0x1  }
0x94: {  	[sflag:s4] =	ssyncset.done $0x0  }
0x95: {  	s16 =	sld [smem:$0x10];
	[sflag:s4] =	ssyncadd.s32 $0xFFFFFFFF  }
0x96: {  	s17 =	sld [smem:$0x12];
	(tm) =	ssettm $0x1  }
0x97: {  	s18 =	sld [smem:$0x3FFB];
	_ =	sdelay $0x3  }
0x98: {  	_ =	strace s18  }
0x99: {  	s5 =	sld [smem:$0x3FFC];
	_ =	sdelay $0x3  }
0x9a: {  	_ =	strace s5  }
0x9b: {  	s5 =	sld [smem:$0x3FFD];
	_ =	sdelay $0x3  }
0x9c: {  	_ =	strace s5  }
0x9d: {  	_ =	strace $0x8FFFFFFF  }
0x9e: {  	s19 =	sld [smem:$0x3FDB];
	_ =	sdelay $0x1  }
0x9f: {  	s6 =	simm.s32 $_scs_section_size  }
0xa0: {  	s7 =	simm.s32 $_size__tile_overlayer_lowered;
	s8 =	simm.s32 $_tile_overlayer_lowered  }
0xa1: {  	s22 =	simm.s32 $0x1BFF;
	s21 =	sshll.u32 s8, $0x1;
	s5 =	sadd.s32 s6, s19  }
0xa2: {  	s9 =	simm.s32 $0x0;
	s20 =	sshll.u32 s7, $0x1;
	s7 =	sadd.s32 s21, s5  }
0xa3: {  	[timem:s9], [sflag:s22] =	dma.local [hbm:s7], s20  }
0xa4: {  	_ =	swait.ge [sflag:s22], s20  }
0xa5: {  	s6 =	ssub.s32 $0x0, s20;
	[sflag:s22] =	ssyncset.done $0x0  }
0xa6: {  	[sflag:s22] =	ssyncadd.s32 s6;
	_ =	sdelay $0x1  }
0xa7: {  	s23 =	simm.s32 $0x1B8B  }
0xa8: {  	_ =	swait.ge [sflag:s23], $0x1  }
0xa9: {  	[sflag:s23] =	ssyncset.done $0x0  }
0xaa: {  	s25 =	simm.s32 $0x1B8E;
	s24 =	sld [smem:$0x3FFE];
	[sflag:s23] =	ssyncadd.s32 $0xFFFFFFFF  }
0xab: {  	s26 =	simm.s32 $execute0_lowered;
	[smem:$0x3FD2] =	sst s25  }
0xac: {  	s7 =	sshll.u32 s26, $0x1;
	_ =	strace $0x80000046;
	[dreg:$0x1] =	wrdreg $0xFFFFFFFF  }
0xad: {  	s28 =	simm.s32 $_size_execute0_lowered;
	s5 =	sadd.s32 s5, s7;
	[dreg:$0x0] =	wrdreg $0x0  }
0xae: {  	s7 =	sshll.u32 s28, $0x1;
	[dreg:$0x2] =	wrdreg s5  }
0xaf: {  	[dreg:$0x3] =	wrdreg s7  }
0xb0: {  	[dreg:$0x4] =	wrdreg $0xC0  }
0xb1: {  	_ =	task [dreg:s9], $0x5FFFF  }
0xb2: {  	[dreg:$0x1] =	wrdreg $0xFFFFFFFF  }
0xb3: {  	[dreg:$0x0] =	wrdreg $0x60  }
0xb4: {  	[dreg:$0x2] =	wrdreg s15  }
0xb5: {  	[dreg:$0x3] =	wrdreg s16  }
0xb6: {  	[dreg:$0x4] =	wrdreg s17  }
0xb7: {  	[dreg:$0x5] =	wrdreg s24  }
0xb8: {  	[dreg:$0x6] =	wrdreg $0x9  }
0xb9: {  	_ =	task.clear_ibuf [dreg:s9], $0x7FFFF;
	_ =	strace $0x90000046  }
0xba: {  	s29 =	simm.s32 $0x9;
	_ =	strace $0x80000048  }
0xbb: {  	_ =	swait.ge [sflag:s29], $0x1  }
0xbc: {  	[sflag:s29] =	ssyncadd.s32 $0xFFFFFFFF  }
0xbd: {  	_ =	strace $0x90000048  }
0xbe: {  	_ =	sfence  }
0xbf: {  	s30 =	sld [smem:$0x0];
	_ =	sdelay $0x2  }
0xc0: {  	s31 =	sshll.u32 s1, $0xD;
	s1 =	sshrl.u32 s1, $0x2  }
0xc1: {  	s3 =	sand.u32 $0x4000, s31;
	s1 =	sadd.s32 s1, s30  }
0xc2: {  	s0 =	sor.u32 s3, s0;
	s1 =	sshll.u32 s1, $0x11  }
0xc3: {  	s0 =	sor.u32 s1, s0  }
0xc4: {  	s0 =	sadd.s32 $0x8F2B, s0  }
0xc5: {  	[sflag:s0] =	ssyncadd.remote.s32 $0x1  }
0xc6: {  	_ =	sfence.sel $0xFFFF  }
0xc7: {  	[dreg:$0x0] =	wrdreg $0xFFFFFFFF;
	(pc) =	sbr.abs _section_cstart, $3  }
0xc8: {  	[dreg:$0x1] =	wrdreg $0xFFFFFFFF  }
0xc9: {  	_ =	task.clear_ibuf [dreg:s9], $0x2FFFF;
	_ =	strace $0x9FFFFFFF  }
0xca: {  	(tm) =	ssettm $0x7FFFFFFF  }
0xcb: {  	_ =	shalt  }
tec
execute0_lowered:
.L_overlay_start_1:
0x0: {  	(tag) =	ssettag $0x1  }
0x1: {  	s10 =	rddreg [dreg:$0x0]  }
0x2: {  	s11 =	rddreg [dreg:$0x1]  }
0x3: {  	s12 =	rddreg [dreg:$0x2];
	s1 =	srdreg.scid  }
0x4: {  	s0 =	stileid.u32;
	s16 =	rddreg [dreg:$0x3];
	s19 =	simm.s32 $0x300  }
0x5: {  	s20 =	simm.s32 $0x1;
	s21 =	simm.s32 $0x480;
	s22 =	simm.s32 $0x600  }
0x6: {  	s23 =	simm.s32 $0x780;
	s24 =	simm.s32 $0x900;
	s25 =	simm.s32 $0x0  }
0x7: {  	s3 =	sand.u32 $0x1, s1;
	s2 =	sshll.u32 s0, $0x1;
	s1 =	rddreg [dreg:$0x4]  }
0x8: {  	s13 =	sadd.s32 $0x3ED8, s16;
	s14 =	sadd.s32 $0x44D8, s16;
	s15 =	sadd.s32 $0x4AD8, s16  }
0x9: {  	s18 =	sor.u32 s3, s2;
	s2 =	simm.s32 $0x0;
	s3 =	ssub.s32 $0x2, s3  }
0xa: {  	s5 =	smul.u32 $0x28, s18;
	[smem:$0x7FF] =	sst s2;
	s4 =	sshrl.u32 s3, $0x1  }
0xb: {  	p0 =	seq.s32 s18, $0x1F;
	s18 =	simm.s32 $0x180;
	_ =	strace $0x80000047  }
.Ltmp0:
0xc: {  	s17 =	ssub.s32 s3, s4;
	s9 =	sadd.s32 s5, s16;
	(pc) =	sbr.rel .LBB2_1-.Ltmp0, $4  }
0xd: {  	s3 =	sadd.s32 s10, s5;
	s4 =	sadd.s32 s11, s5;
	s5 =	sadd.s32 s12, s5  }
0xe: {  	s10 =	sadd.s32 $0x4D8, s10;
	s11 =	sadd.s32 $0x4D8, s11;
	s12 =	sadd.s32 $0x4D8, s12  }
0xf: {  	s16 =	sadd.s32 $0x50D8, s16;
	s17 =	smax.u32 s17, $0x1;
	s6 =	sadd.s32 $0x3A00, s9  }
0x10: {  	v0 =	vimm.f32 $0.0e+00;
	s7 =	sadd.s32 $0x4000, s9;
	s8 =	sadd.s32 $0x4600, s9;
	s9 =	sadd.s32 $0x4C00, s9  }
.LBB2_5:
0x11: {  	[tilespmem:s2], [sflag:$0x1] =	stream.linear.gather [hbm4b:s10+s2], $0x50, $0x38;
	[tilespmem:$0xA80] =	vst v63  }
0x12: {  	_ = 	snop  }
0x13: {  	[tilespmem:s18], [sflag:$0x1] =	stream.linear.gather [hbm4b:s11+s2], $0x50, $0x38;
	[tilespmem:$0xA80] =	vst v63  }
0x14: {  	_ = 	snop  }
0x15: {  	[tilespmem:s19], [sflag:$0x1] =	stream.linear.gather [hbm4b:s12+s2], $0x50, $0x38;
	[tilespmem:$0xA80] =	vst v63  }
0x16: {  	_ =	swait.ge [sflag:s20], $0x50  }
0x17: {  	[sflag:s20] =	ssyncset.done $0x0  }
0x18: {  	[sflag:s20] =	ssyncadd.s32 $0xFFFFFFB0  }
0x19: {  	_ =	swait.ge [sflag:s20], $0x50  }
0x1a: {  	[sflag:s20] =	ssyncset.done $0x0  }
0x1b: {  	[sflag:s20] =	ssyncadd.s32 $0xFFFFFFB0  }
0x1c: {  	_ =	swait.ge [sflag:s20], $0x50  }
0x1d: {  	[sflag:s20] =	ssyncset.done $0x0  }
0x1e: {  	[sflag:s20] =	ssyncadd.s32 $0xFFFFFFB0  }
0x1f: {  	v1 =	vld [tilespmem:$0x180]  }
0x20: {  	v2 =	vld [tilespmem:$0x300]  }
0x21: {  	v3 =	vld [tilespmem:$0x0]  }
0x22: {  	v58 =	vld [tilespmem:$0x10]  }
0x23: {  	v61 =	vld [tilespmem:$0x310]  }
0x24: {  	v11 =	vld [tilespmem:$0x20]  }
0x25: {  	v25 =	vld [tilespmem:$0x1A0]  }
0x26: {  	v13 =	vld [tilespmem:$0x320]  }
0x27: {  	v18 =	vld [tilespmem:$0x1B0]  }
0x28: {  	v33 =	vld [tilespmem:$0x330];
	v4 =	vtrunc.f32 v2;
	v5 =	vtrunc.f32 v1;
	vm0 =	veq.s32 v3, $0x2  }
0x29: {  	v45 =	vld [tilespmem:$0x340];
	v7 =	vand.u32 $0x7FFFFFFF, v1;
	v8 =	vsub.f32 v2, v1;
	v9 =	vand.u32 $0x7FFFFFFF, v2  }
0x2a: {  	v47 =	vld [tilespmem:$0x1C0];
	vm11 =	veq.s32 v3, $0x1;
	vm12 =	veq.s32 v58, $0x2;
	v20 =	vand.u32 $0x7FFFFFFF, v61  }
0x2b: {  	v10 =	vtrunc.f32 v61;
	vm7 =	veq.s32 v11, $0x2;
	v27 =	vand.u32 $0x7FFFFFFF, v25  }
0x2c: {  	v28 =	vtrunc.f32 v13;
	v31 =	vand.u32 $0x7FFFFFFF, v13;
	v16 =	vsub.f32 v13, v25  }
0x2d: {  	v17 =	vtrunc.f32 v25;
	v39 =	vand.u32 $0x7FFFFFFF, v18;
	v41 =	vtrunc.f32 v33  }
0x2e: {  	v40 =	vsub.f32 v33, v18;
	v42 =	vtrunc.f32 v18;
	v51 =	vtrunc.f32 v45  }
0x2f: {  	v53 =	vtrunc.f32 v47;
	v56 =	vand.u32 $0x7FFFFFFF, v47;
	v4 =	vcvt.f32.s32 v4  }
0x30: {  	v5 =	vcvt.f32.s32 v5;
	v6 =	vsel vm0, $0x3F800000, v0;
	vm9 =	vlt.f32 v7, $9.999999840e+17  }
0x31: {  	vm1 =	vlt.f32 v9, $9.999999840e+17;
	v3 =	vsel vm11, $0x3F800000, v0;
	vm14 =	vlt.f32 v20, $9.999999840e+17  }
0x32: {  	v22 =	vcvt.f32.s32 v10;
	v12 =	vsel vm12, $0x3F800000, v0;
	v30 =	vcvt.f32.s32 v28  }
0x33: {  	v29 =	vsel vm7, $0x3F800000, v0;
	v32 =	vcvt.f32.s32 v17;
	v43 =	vcvt.f32.s32 v42  }
0x34: {  	vm8 =	vlt.f32 v27, $9.999999840e+17;
	v52 =	vcvt.f32.s32 v51;
	v54 =	vcvt.f32.s32 v53  }
0x35: {  	vm2 =	vle.f32 v8, $1.000000000e+01;
	vm0 =	vmand vm1, vm9;
	v4 =	vcvt.s32.f32 v4  }
0x36: {  	vm9 =	vlt.f32 v31, $9.999999840e+17;
	v5 =	vcvt.s32.f32 v5;
	v8 =	vcvt.s32.f32 v30  }
0x37: {  	vm0 =	vmand vm0, vm2;
	v34 =	vcvt.s32.f32 v32;
	v9 =	vcvt.s32.f32 v54  }
0x38: {  	v59 =	vnsel vm0, $0x0, v6;
	vm0 =	veq.s32 v58, $0x1;
	vm10 =	vgt.f32 v2, v4  }
0x39: {  	vm3 =	vlt.f32 v1, v5;
	v62 =	vsub.f32 $1.000000000e+00, v59;
	vm11 =	vgt.f32 v13, v8  }
0x3a: {  	vm12 =	vlt.f32 v25, v34;
	v55 =	vsel vm0, $0x3F800000, v0;
	v2 =	vsel vm10, $0x3F800000, v0  }
0x3b: {  	v1 =	vld [tilespmem:$0x190];
	v57 =	vsel vm3, $0x3F800000, v0;
	vm10 =	vle.f32 v16, $1.000000000e+01;
	v36 =	vsel vm11, $0x3F800000, v0  }
0x3c: {  	v10 =	vsel vm12, $0x3F800000, v0;
	v2 =	vadd.f32 v4, v2;
	v60 =	vsub.f32 v57, v5  }
0x3d: {  	v63 =	vmul.f32 v62, v6;
	v6 =	vcvt.s32.f32 v22;
	v57 =	vand.u32 $0x7FFFFFFF, v45  }
0x3e: {  	vm11 =	vlt.f32 v56, $9.999999840e+17;
	v8 =	vadd.f32 v8, v36;
	vm12 =	vlt.f32 v57, $9.999999840e+17  }
0x3f: {  	v2 =	vadd.f32 v2, v60;
	vm5 =	vgt.f32 v61, v6;
	vm0 =	vmand vm12, vm11  }
0x40: {  	v19 =	vand.u32 $0x7FFFFFFF, v1;
	v21 =	vsub.f32 v61, v1;
	v23 =	vtrunc.f32 v1  }
0x41: {  	v37 =	vld [tilespmem:$0x30];
	v5 =	vsel vm5, $0x3F800000, v0;
	vm5 =	veq.s32 v11, $0x1;
	v2 =	vadd.f32 $1.000000000e+00, v2  }
0x42: {  	vm13 =	vlt.f32 v19, $9.999999840e+17;
	v24 =	vcvt.f32.s32 v23;
	v5 =	vadd.f32 v6, v5  }
0x43: {  	v19 =	vand.u32 $0x7FFFFFFF, v33;
	vm1 =	vmand vm14, vm13;
	vm15 =	vle.f32 v21, $1.000000000e+01  }
0x44: {  	vm13 =	vlt.f32 v39, $9.999999840e+17;
	vm14 =	vlt.f32 v19, $9.999999840e+17;
	vm4 =	vmand vm1, vm15  }
0x45: {  	[tilespmem:$0x600] =	vst v59;
	v59 =	vld [tilespmem:$0x40];
	v2 =	vmax.f32 v2, $1.000000000e+00;
	v7 =	vcvt.s32.f32 v24;
	vm1 =	vmand vm9, vm8  }
0x46: {  	vm15 =	veq.s32 v37, $0x2;
	vm8 =	veq.s32 v37, $0x1;
	v14 =	vnsel vm4, $0x0, v12  }
0x47: {  	v2 =	vmin.f32 v2, $1.100000000e+01;
	vm1 =	vmand vm1, vm10;
	v20 =	vsel vm15, $0x3F800000, v0  }
0x48: {  	vm4 =	vle.f32 v40, $1.000000000e+01;
	vm10 =	vlt.f32 v47, v9;
	v15 =	vsub.f32 $1.000000000e+00, v14  }
0x49: {  	vm6 =	vlt.f32 v1, v7;
	v35 =	vnsel vm1, $0x0, v29;
	vm1 =	vmand vm14, vm13  }
0x4a: {  	v2 =	vtrunc.f32 v2;
	vm14 =	veq.s32 v59, $0x2;
	v26 =	vsel vm6, $0x3F800000, v0  }
0x4b: {  	v38 =	vsub.f32 $1.000000000e+00, v35;
	vm1 =	vmand vm1, vm4;
	v2 =	vcvt.f32.s32 v2  }
0x4c: {  	v1 =	vmul.f32 v15, v12;
	v6 =	vsub.f32 v26, v7;
	v7 =	vsub.f32 v10, v34  }
0x4d: {  	v12 =	vcvt.f32.s32 v41;
	v10 =	vcvt.s32.f32 v43;
	v46 =	vnsel vm1, $0x0, v20  }
0x4e: {  	v44 =	vmul.f32 v38, v29;
	v48 =	vsub.f32 $1.000000000e+00, v46;
	[tilespmem:$0x900] =	vst v2;
	v2 =	vsel vm5, $0x3F800000, v0  }
0x4f: {  	v5 =	vadd.f32 v5, v6;
	v12 =	vcvt.s32.f32 v12;
	vm7 =	vlt.f32 v18, v10  }
0x50: {  	v7 =	vadd.f32 v8, v7;
	[tilespmem:$0x790] =	vst v1;
	v1 =	vsel vm10, $0x3F800000, v0;
	v18 =	vsel vm7, $0x3F800000, v0  }
0x51: {  	[tilespmem:$0x480] =	vst v3;
	vm6 =	vgt.f32 v33, v12;
	v3 =	vsub.f32 v18, v10;
	v10 =	vcvt.s32.f32 v52  }
0x52: {  	[tilespmem:$0x4A0] =	vst v2;
	v2 =	vsub.f32 v45, v47;
	v50 =	vmul.f32 v48, v20;
	v49 =	vsel vm6, $0x3F800000, v0  }
0x53: {  	[tilespmem:$0x490] =	vst v55;
	v5 =	vadd.f32 $1.000000000e+00, v5;
	v12 =	vadd.f32 v12, v49;
	vm9 =	vgt.f32 v45, v10  }
0x54: {  	[tilespmem:$0x780] =	vst v63;
	v1 =	vsub.f32 v1, v9;
	v7 =	vadd.f32 $1.000000000e+00, v7;
	v58 =	vsel vm9, $0x3F800000, v0  }
0x55: {  	[tilespmem:$0x610] =	vst v14;
	v5 =	vmax.f32 v5, $1.000000000e+00;
	v3 =	vadd.f32 v12, v3;
	v60 =	vadd.f32 v10, v58  }
0x56: {  	[tilespmem:$0x620] =	vst v35;
	vm13 =	vle.f32 v2, $1.000000000e+01;
	v7 =	vmax.f32 v7, $1.000000000e+00;
	v5 =	vmin.f32 v5, $1.100000000e+01  }
0x57: {  	[tilespmem:$0x630] =	vst v46;
	v7 =	vmin.f32 v7, $1.100000000e+01;
	v3 =	vadd.f32 $1.000000000e+00, v3;
	v1 =	vadd.f32 v60, v1  }
0x58: {  	[tilespmem:$0x7A0] =	vst v44;
	v2 =	vsel vm8, $0x3F800000, v0;
	v5 =	vtrunc.f32 v5;
	v7 =	vtrunc.f32 v7  }
0x59: {  	[tilespmem:$0x4B0] =	vst v2;
	v5 =	vcvt.f32.s32 v5;
	v3 =	vmax.f32 v3, $1.000000000e+00;
	v1 =	vadd.f32 $1.000000000e+00, v1  }
0x5a: {  	vm0 =	vmand vm0, vm13;
	[tilespmem:$0x7B0] =	vst v50;
	v61 =	vcvt.f32.s32 v7;
	v3 =	vmin.f32 v3, $1.100000000e+01  }
0x5b: {  	[tilespmem:$0x910] =	vst v5;
	v2 =	vtrunc.f32 v3;
	v3 =	vsel vm14, $0x3F800000, v0;
	v1 =	vmax.f32 v1, $1.000000000e+00  }
0x5c: {  	[tilespmem:$0x920] =	vst v61;
	v2 =	vcvt.f32.s32 v2;
	v62 =	vnsel vm0, $0x0, v3;
	v1 =	vmin.f32 v1, $1.100000000e+01  }
0x5d: {  	vm15 =	veq.s32 v59, $0x1;
	v63 =	vsub.f32 $1.000000000e+00, v62;
	v1 =	vtrunc.f32 v1;
	[tilespmem:$0x640] =	vst v62  }
0x5e: {  	[tilespmem:$0x930] =	vst v2;
	v2 =	vsel vm15, $0x3F800000, v0;
	v1 =	vcvt.f32.s32 v1  }
0x5f: {  	[tilespmem:$0x4C0] =	vst v2;
	v2 =	vmul.f32 v63, v3  }
0x60: {  	[tilespmem:$0x940] =	vst v1  }
0x61: {  	[tilespmem:$0x7C0] =	vst v2  }
0x62: {  	[hbm4b:s13+s2] =	stream.linear.scatter [tilespmem:s21], [sflag:$0x1], $0x50, $0x38;
	[tilespmem:$0xA80] =	vst v63  }
0x63: {  	_ = 	snop  }
0x64: {  	[hbm4b:s14+s2] =	stream.linear.scatter [tilespmem:s22], [sflag:$0x1], $0x50, $0x38;
	[tilespmem:$0xA80] =	vst v63  }
0x65: {  	_ = 	snop  }
0x66: {  	[hbm4b:s15+s2] =	stream.linear.scatter [tilespmem:s23], [sflag:$0x1], $0x50, $0x38;
	[tilespmem:$0xA80] =	vst v63  }
0x67: {  	_ = 	snop  }
0x68: {  	[hbm4b:s16+s2] =	stream.linear.scatter [tilespmem:s24], [sflag:$0x1], $0x50, $0x38;
	[tilespmem:$0xA80] =	vst v63  }
0x69: {  	_ =	swait.ge [sflag:s20], $0x50  }
0x6a: {  	[sflag:s20] =	ssyncset.done $0x0  }
0x6b: {  	[sflag:s20] =	ssyncadd.s32 $0xFFFFFFB0  }
0x6c: {  	_ =	swait.ge [sflag:s20], $0x50  }
0x6d: {  	[sflag:s20] =	ssyncset.done $0x0  }
0x6e: {  	[sflag:s20] =	ssyncadd.s32 $0xFFFFFFB0  }
0x6f: {  	_ =	swait.ge [sflag:s20], $0x50  }
0x70: {  	[sflag:s20] =	ssyncset.done $0x0  }
0x71: {  	[sflag:s20] =	ssyncadd.s32 $0xFFFFFFB0  }
0x72: {  	_ =	swait.ge [sflag:s20], $0x50  }
0x73: {  	[sflag:s20] =	ssyncset.done $0x0  }
0x74: {  	[sflag:s20] =	ssyncadd.s32 $0xFFFFFFB0  }
.LBB2_6:
0x75: {  	s25 =	sadd.s32 $0x1, s25  }
0x76: {  	p1 =	sne.s32 s25, s17  }
.Ltmp1:
0x77: {  	_ = 	snop;
	(pc) =	sbr.rel @!p1 .LBB2_7-.Ltmp1, $1  }
0x78: {  	_ =	sdelay $0x3  }
.LBB2_1:
.Ltmp2:
0x79: {  	(pc) =	sbr.rel @p0 .LBB2_5-.Ltmp2, $1  }
0x7a: {  	_ =	sdelay $0x3  }
0x7b: {  	s26 =	simm.s32 $0x0  }
0x7c: {  	[tilespmem:s26], [sflag:$0x1] =	stream.linear.gather [hbm4b:s3+s26], $0x140, $0x38;
	[tilespmem:$0xA80] =	vst v63  }
0x7d: {  	_ = 	snop  }
0x7e: {  	[tilespmem:s18], [sflag:$0x1] =	stream.linear.gather [hbm4b:s4+s26], $0x140, $0x38;
	[tilespmem:$0xA80] =	vst v63  }
0x7f: {  	_ = 	snop  }
0x80: {  	[tilespmem:s19], [sflag:$0x1] =	stream.linear.gather [hbm4b:s5+s26], $0x140, $0x38;
	[tilespmem:$0xA80] =	vst v63  }
0x81: {  	_ =	swait.ge [sflag:s20], $0x140  }
0x82: {  	[sflag:s20] =	ssyncset.done $0x0  }
0x83: {  	[sflag:s20] =	ssyncadd.s32 $0xFFFFFEC0  }
0x84: {  	_ =	swait.ge [sflag:s20], $0x140  }
0x85: {  	[sflag:s20] =	ssyncset.done $0x0  }
0x86: {  	[sflag:s20] =	ssyncadd.s32 $0xFFFFFEC0  }
0x87: {  	_ =	swait.ge [sflag:s20], $0x140  }
0x88: {  	[sflag:s20] =	ssyncset.done $0x0  }
0x89: {  	s28 =	simm.s32 $0x0;
	[sflag:s20] =	ssyncadd.s32 $0xFFFFFEC0  }
0x8a: {  	v1 =	vld [tilespmem:s28+$0x180]  }
0x8b: {  	v2 =	vld [tilespmem:s28+$0x300];
	_ =	sdelay $0x4  }
0x8c: {  	v3 =	vtrunc.f32 v2;
	v4 =	vtrunc.f32 v1  }
0x8d: {  	v3 =	vcvt.f32.s32 v3;
	v4 =	vcvt.f32.s32 v4  }
0x8e: {  	s26 =	simm.s32 $0x10;
	v5 =	vld [tilespmem:s28+$0x0];
	v6 =	vand.u32 $0x7FFFFFFF, v1  }
0x8f: {  	v9 =	vld [tilespmem:s26+$0x300];
	v8 =	vsub.f32 v2, v1;
	v3 =	vcvt.s32.f32 v3;
	v4 =	vcvt.s32.f32 v4  }
0x90: {  	v7 =	vand.u32 $0x7FFFFFFF, v2;
	vm0 =	vlt.f32 v6, $9.999999840e+17  }
0x91: {  	vm2 =	vle.f32 v8, $1.000000000e+01;
	v8 =	vld [tilespmem:s26+$0x180];
	vm3 =	vgt.f32 v2, v3;
	vm4 =	vlt.f32 v1, v4  }
0x92: {  	vm1 =	vlt.f32 v7, $9.999999840e+17;
	v1 =	vsel vm3, $0x3F800000, v0;
	v2 =	vsel vm4, $0x3F800000, v0  }
0x93: {  	vm0 =	vmand vm1, vm0;
	v3 =	vadd.f32 v3, v1;
	v2 =	vsub.f32 v2, v4  }
0x94: {  	v11 =	vand.u32 $0x7FFFFFFF, v9;
	vm1 =	veq.s32 v5, $0x2;
	vm0 =	vmand vm0, vm2  }
0x95: {  	v1 =	vsel vm1, $0x3F800000, v0;
	v4 =	vtrunc.f32 v9;
	v2 =	vadd.f32 v3, v2  }
0x96: {  	v7 =	vtrunc.f32 v8;
	v6 =	vnsel vm0, $0x0, v1;
	vm0 =	veq.s32 v5, $0x1  }
0x97: {  	v5 =	vand.u32 $0x7FFFFFFF, v8;
	v12 =	vcvt.f32.s32 v4;
	v2 =	vadd.f32 $1.000000000e+00, v2  }
0x98: {  	v13 =	vcvt.f32.s32 v7;
	v10 =	vsel vm0, $0x3F800000, v0;
	v3 =	vsub.f32 $1.000000000e+00, v6  }
0x99: {  	v4 =	vld [tilespmem:s26+$0x0];
	vm1 =	vlt.f32 v5, $9.999999840e+17;
	v5 =	vsub.f32 v9, v8;
	v2 =	vmax.f32 v2, $1.000000000e+00  }
0x9a: {  	[tilespmem:s28+$0x600] =	vst v6;
	v7 =	vcvt.s32.f32 v12;
	v6 =	vcvt.s32.f32 v13;
	v2 =	vmin.f32 v2, $1.100000000e+01  }
0x9b: {  	s29 =	simm.s32 $0x20;
	vm2 =	vlt.f32 v11, $9.999999840e+17;
	[tilespmem:s28+$0x480] =	vst v10;
	vm0 =	vle.f32 v5, $1.000000000e+01;
	v5 =	vtrunc.f32 v2  }
0x9c: {  	s30 =	simm.s32 $0xC0;
	vm4 =	vgt.f32 v9, v7;
	vm3 =	vlt.f32 v8, v6;
	v2 =	vld [tilespmem:s29+$0x180];
	v5 =	vcvt.f32.s32 v5  }
.LBB2_3:
0x9d: {  	p1 =	sne.s32 s30, $0x4C0;
	v8 =	vld [tilespmem:s29+$0x300];
	vm1 =	vmand vm2, vm1;
	v9 =	vsel vm4, $0x3F800000, v0;
	v10 =	vsel vm3, $0x3F800000, v0  }
0x9e: {  	vm2 =	veq.s32 v4, $0x2;
	v11 =	vld [tilespmem:s29+$0x0];
	v7 =	vadd.f32 v7, v9;
	v6 =	vsub.f32 v10, v6;
	[tilespmem:s28+$0x900] =	vst v5  }
0x9f: {  	vm0 =	vmand vm1, vm0;
	v5 =	vmul.f32 v3, v1;
	v1 =	vsel vm2, $0x3F800000, v0  }
0xa0: {  	v9 =	vnsel vm0, $0x0, v1;
	vm0 =	veq.s32 v4, $0x1;
	v13 =	vadd.f32 v7, v6  }
0xa1: {  	v7 =	vsel vm0, $0x3F800000, v0;
	v3 =	vsub.f32 $1.000000000e+00, v9;
	v6 =	vand.u32 $0x7FFFFFFF, v2;
	[tilespmem:s28+$0x780] =	vst v5;
	s28 =	smov.u32 s26;
	s26 =	smov.u32 s29  }
0xa2: {  	v10 =	vtrunc.f32 v2;
	v5 =	vtrunc.f32 v8;
	[tilespmem:s28+$0x600] =	vst v9;
	v9 =	vadd.f32 $1.000000000e+00, v13  }
.Ltmp3:
0xa3: {  	v12 =	vand.u32 $0x7FFFFFFF, v8;
	v10 =	vcvt.f32.s32 v10;
	v5 =	vcvt.f32.s32 v5;
	[tilespmem:s28+$0x480] =	vst v7;
	v4 =	vmovc v11;
	(pc) =	sbr.rel @p1 .LBB2_3-.Ltmp3, $4  }
0xa4: {  	vm1 =	vlt.f32 v6, $9.999999840e+17;
	v11 =	vsub.f32 v8, v2;
	v9 =	vmax.f32 v9, $1.000000000e+00  }
0xa5: {  	v6 =	vcvt.s32.f32 v10;
	v7 =	vcvt.s32.f32 v5;
	v5 =	vmin.f32 v9, $1.100000000e+01  }
0xa6: {  	s29 =	sshra.s32 s30, $0x2;
	vm2 =	vlt.f32 v12, $9.999999840e+17;
	vm0 =	vle.f32 v11, $1.000000000e+01;
	v5 =	vtrunc.f32 v5  }
0xa7: {  	s30 =	sadd.s32 $0x40, s30;
	vm3 =	vlt.f32 v2, v6;
	vm4 =	vgt.f32 v8, v7;
	v2 =	vld [tilespmem:s29+$0x180];
	v5 =	vcvt.f32.s32 v5  }
0xa8: {  	v8 =	vld [tilespmem:s29+$0x300];
	_ =	sdelay $0x3  }
0xa9: {  	vm1 =	vmand vm2, vm1;
	v11 =	vsel vm4, $0x3F800000, v0;
	v1 =	vmul.f32 v3, v1  }
0xaa: {  	v52 =	vsel vm3, $0x3F800000, v0;
	v10 =	vtrunc.f32 v2;
	v9 =	vtrunc.f32 v8  }
0xab: {  	vm7 =	veq.s32 v4, $0x2;
	v10 =	vcvt.f32.s32 v10;
	v9 =	vcvt.f32.s32 v9  }
0xac: {  	vm8 =	veq.s32 v4, $0x1;
	v7 =	vadd.f32 v7, v11;
	v6 =	vsub.f32 v52, v6  }
0xad: {  	v53 =	vsel vm7, $0x3F800000, v0;
	v10 =	vcvt.s32.f32 v10;
	v9 =	vcvt.s32.f32 v9  }
0xae: {  	vm0 =	vmand vm1, vm0;
	v59 =	vsel vm8, $0x3F800000, v0;
	v3 =	vadd.f32 v7, v6  }
0xaf: {  	v56 =	vld [tilespmem:s29+$0x0];
	v58 =	vnsel vm0, $0x0, v53;
	vm10 =	vlt.f32 v2, v10;
	vm9 =	vgt.f32 v8, v9  }
0xb0: {  	v3 =	vadd.f32 $1.000000000e+00, v3;
	v55 =	vsel vm10, $0x3F800000, v0;
	v54 =	vsel vm9, $0x3F800000, v0  }
0xb1: {  	v57 =	vand.u32 $0x7FFFFFFF, v2;
	v6 =	vsub.f32 v55, v10;
	v4 =	vadd.f32 v9, v54  }
0xb2: {  	v60 =	vsub.f32 $1.000000000e+00, v58;
	vm11 =	vlt.f32 v57, $9.999999840e+17;
	v3 =	vmax.f32 v3, $1.000000000e+00  }
0xb3: {  	v3 =	vmin.f32 v3, $1.100000000e+01;
	v2 =	vsub.f32 v8, v2;
	v4 =	vadd.f32 v4, v6  }
0xb4: {  	[tilespmem:s28+$0x780] =	vst v1;
	vm14 =	veq.s32 v56, $0x2;
	v1 =	vtrunc.f32 v3;
	v8 =	vand.u32 $0x7FFFFFFF, v8  }
0xb5: {  	[tilespmem:s28+$0x900] =	vst v5;
	vm12 =	vlt.f32 v8, $9.999999840e+17;
	vm13 =	vle.f32 v2, $1.000000000e+01;
	v2 =	vadd.f32 $1.000000000e+00, v4  }
0xb6: {  	[tilespmem:s26+$0x600] =	vst v58;
	v61 =	vmul.f32 v60, v53;
	v1 =	vcvt.f32.s32 v1;
	vm0 =	vmand vm12, vm11  }
0xb7: {  	[tilespmem:s26+$0x480] =	vst v59;
	v3 =	vsel vm14, $0x3F800000, v0;
	vm0 =	vmand vm0, vm13;
	v2 =	vmax.f32 v2, $1.000000000e+00  }
0xb8: {  	[tilespmem:s26+$0x900] =	vst v1;
	v1 =	vnsel vm0, $0x0, v3;
	v2 =	vmin.f32 v2, $1.100000000e+01  }
0xb9: {  	vm15 =	veq.s32 v56, $0x1;
	[tilespmem:s26+$0x780] =	vst v61;
	v62 =	vsub.f32 $1.000000000e+00, v1;
	v2 =	vtrunc.f32 v2  }
0xba: {  	v63 =	vsel vm15, $0x3F800000, v0;
	[tilespmem:s29+$0x600] =	vst v1;
	v1 =	vcvt.f32.s32 v2  }
0xbb: {  	[tilespmem:s29+$0x480] =	vst v63;
	v2 =	vmul.f32 v62, v3  }
0xbc: {  	[tilespmem:s29+$0x900] =	vst v1  }
0xbd: {  	[tilespmem:s29+$0x780] =	vst v2  }
0xbe: {  	[hbm4b:s6+s2] =	stream.linear.scatter [tilespmem:s21], [sflag:$0x1], $0x140, $0x38;
	[tilespmem:$0xA80] =	vst v63  }
0xbf: {  	_ = 	snop  }
0xc0: {  	[hbm4b:s7+s2] =	stream.linear.scatter [tilespmem:s22], [sflag:$0x1], $0x140, $0x38;
	[tilespmem:$0xA80] =	vst v63  }
0xc1: {  	_ = 	snop  }
0xc2: {  	[hbm4b:s8+s2] =	stream.linear.scatter [tilespmem:s23], [sflag:$0x1], $0x140, $0x38;
	[tilespmem:$0xA80] =	vst v63  }
0xc3: {  	_ = 	snop  }
0xc4: {  	[hbm4b:s9+s2] =	stream.linear.scatter [tilespmem:s24], [sflag:$0x1], $0x140, $0x38;
	[tilespmem:$0xA80] =	vst v63  }
0xc5: {  	_ =	swait.ge [sflag:s20], $0x140  }
0xc6: {  	[sflag:s20] =	ssyncset.done $0x0  }
0xc7: {  	[sflag:s20] =	ssyncadd.s32 $0xFFFFFEC0  }
0xc8: {  	_ =	swait.ge [sflag:s20], $0x140  }
0xc9: {  	[sflag:s20] =	ssyncset.done $0x0  }
0xca: {  	[sflag:s20] =	ssyncadd.s32 $0xFFFFFEC0  }
0xcb: {  	_ =	swait.ge [sflag:s20], $0x140  }
.Ltmp4:
0xcc: {  	[sflag:s20] =	ssyncset.done $0x0;
	(pc) =	sbr.rel .LBB2_6-.Ltmp4, $4  }
0xcd: {  	[sflag:s20] =	ssyncadd.s32 $0xFFFFFEC0  }
0xce: {  	_ =	swait.ge [sflag:s20], $0x140  }
0xcf: {  	[sflag:s20] =	ssyncset.done $0x0  }
0xd0: {  	[sflag:s20] =	ssyncadd.s32 $0xFFFFFEC0  }
.LBB2_7:
0xd1: {  	_ =	sfence.sel $0x180000  }
0xd2: {  	[bflag:$0x0] =	sbarrier.arrive $0xFFFF  }
0xd3: {  	p0 =	sne.s32 s0, $0x0;
	_ =	strace $0x90000047  }
0xd4: {  	s0 =	sadd.s32 @!p0 $0x100000, s1;
	[bflag:$0x2] =	sbarrier.arrive $0xFFFF  }
0xd5: {  	[sflag:s0] =	ssyncadd.tile.s32 @!p0 $0x1;
	_ =	shalt  }
.Lfunc_end2:
_tile_overlayer_lowered:
.L_overlay_start_2:
0xd6: {  	(tag) =	ssettag $0x2  }
0xd7: {  	s0 =	rddreg [dreg:$0x0];
	s2 =	stileid.u32  }
0xd8: {  	s1 =	rddreg [dreg:$0x1];
	p0 =	sne.s32 s2, $0x0  }
0xd9: {  	s3 =	rddreg [dreg:$0x2];
	[bflag:$0x3] =	sbarrier.arrive $0xFFFF;
	s2 =	simm.s32 @!p0 $0x1C02  }
0xda: {  	[timem:s3], [sflag:s2] =	dma.local @!p0 [hbm:s0], s1  }
0xdb: {  	s0 =	simm.s32 @!p0 $0x2  }
0xdc: {  	_ =	swait.ge @!p0 [sflag:s0], s1  }
0xdd: {  	s1 =	ssub.s32 @!p0 $0x0, s1;
	[sflag:s0] =	ssyncset.done @!p0 $0x0  }
0xde: {  	[sflag:s0] =	ssyncadd.s32 @!p0 s1  }
0xdf: {  	[bflag:$0x3] =	sbarrier.arrive $0xFFFF  }
0xe0: {  	_ =	shalt  }

</sc_bundles>
